<compile_context>
chip_gen: v7x
topology: tpu7x:2x2x1
jax: 0.10.2.dev20260603
libtpu: 0.0.44.dev20260713+nightly
codegen_flags: <defaults>
</compile_context>

<pallas_src>
import functools

import jax
import jax.numpy as jnp
import numpy as np
from jax import lax
from jax.experimental import pallas as pl
from jax.experimental.pallas import tpu as pltpu
from jax.experimental.pallas import tpu_sc as plsc

_C = 2
_N = 2048
_NT = 3
_IF = 128
_OF = 32
_H = 4
_CN = _C * _N
_F = _NT * _OF
_FP = 128
_K = _N * _H
_E = 65536

_NC = 2
_NS = 16
_NW = _NC * _NS
_EPW = _E // _NW

_V = 128


def _perm_matrices():
    p2 = np.zeros((_NT * _IF, _H * _FP), np.float32)
    for h in range(_H):
        for nt in range(_NT):
            for of in range(_OF):
                src = nt * 128 + h * 32 + of
                dst = h * _FP + nt * _OF + of
                p2[src, dst] = 1.0
    s2 = np.zeros((_H * _FP, _H), np.float32)
    for j in range(_H * _FP):
        s2[j, j // _FP] = 1.0
    return jnp.asarray(p2.reshape(_NT, _IF, _H * _FP)), jnp.asarray(s2)


def _pad_attn(attn):
    return jnp.pad(attn.reshape(1, _H, _F), ((0, 0), (0, 0), (0, _FP - _F))
                   ).reshape(1, _H * _FP)


def _sc_masks_body(edge_hbm, out_hbm, idx_s, idx_d, fs, fd):
    wid = lax.axis_index("s") * _NC + lax.axis_index("c")
    base = wid * _EPW
    pltpu.sync_copy(edge_hbm.at[0, pl.ds(base, _EPW)], idx_s)
    pltpu.sync_copy(edge_hbm.at[1, pl.ds(base, _EPW)], idx_d)

    zeros = jnp.zeros((16,), jnp.float32)

    def zbody(i, carry):
        fs[pl.ds(i * 16, 16)] = zeros
        fd[pl.ds(i * 16, 16)] = zeros
        return carry

    lax.fori_loop(0, _CN // 16, zbody, 0)

    ones = jnp.ones((16,), jnp.float32)

    def sbody(i, carry):
        vi = idx_s[pl.ds(i * 16, 16)]
        plsc.store_scatter(fs, [vi], ones)
        vj = idx_d[pl.ds(i * 16, 16)]
        plsc.store_scatter(fd, [vj], ones)
        return carry

    lax.fori_loop(0, _EPW // 16, sbody, 0)

    pltpu.sync_copy(fs, out_hbm.at[0, wid])
    pltpu.sync_copy(fd, out_hbm.at[1, wid])


def _sc_mask_partials(edge_idx):
    mesh = plsc.VectorSubcoreMesh(core_axis_name="c", subcore_axis_name="s")
    fn = functools.partial(
        pl.kernel,
        out_type=jax.ShapeDtypeStruct((2, _NW, _CN), jnp.float32),
        mesh=mesh,
        scratch_types=[
            pltpu.VMEM((_EPW,), jnp.int32),
            pltpu.VMEM((_EPW,), jnp.int32),
            pltpu.VMEM((_CN,), jnp.float32),
            pltpu.VMEM((_CN,), jnp.float32),
        ],
        compiler_params=pltpu.CompilerParams(needs_layout_passes=False),
    )(_sc_masks_body)
    return fn(edge_idx)


def _feat_body(h_ref, fc_ref, o_ref):
    o_ref[0, 0] = jnp.dot(
        h_ref[0, 0], fc_ref[0], preferred_element_type=jnp.float32
    )


def _feat_kernel(ht, fc):
    return pl.pallas_call(
        _feat_body,
        grid=(_C * _NT,),
        in_specs=[
            pl.BlockSpec((1, 1, _N, _IF), lambda i: (i // _NT, i % _NT, 0, 0)),
            pl.BlockSpec((1, _IF, _OF * _H), lambda i: (i % _NT, 0, 0)),
        ],
        out_specs=pl.BlockSpec((1, 1, _N, _OF * _H),
                               lambda i: (i // _NT, i % _NT, 0, 0)),
        out_shape=jax.ShapeDtypeStruct((_C, _NT, _N, _OF * _H), jnp.float32),
    )(ht, fc)


def _prep_body(part_ref, f_ref, p2_ref, s2_ref, as_ref, ad_ref,
               asrc_ref, adst_ref, adt_ref, fd_ref):
    part = part_ref[...]
    cnt = part.sum(axis=1)
    sflag = (cnt[0] > 0.0).astype(jnp.float32)
    dflag = (cnt[1] > 0.0).astype(jnp.float32)
    x = f_ref[...].reshape(-1, _NT, _IF)
    fp = (jnp.dot(x[:, 0], p2_ref[0], preferred_element_type=jnp.float32)
          + jnp.dot(x[:, 1], p2_ref[1], preferred_element_type=jnp.float32)
          + jnp.dot(x[:, 2], p2_ref[2], preferred_element_type=jnp.float32))
    ps = jnp.clip(fp * as_ref[...], -1e9, 1e9)
    asrc_ref[...] = jnp.dot(ps, s2_ref[...],
                            preferred_element_type=jnp.float32) * sflag[:, None]
    pd = jnp.clip(fp * ad_ref[...], -1e9, 1e9)
    adst = jnp.dot(pd, s2_ref[...],
                   preferred_element_type=jnp.float32) * dflag[:, None]
    adst_ref[...] = adst
    adt_ref[...] = adst.T
    fd_ref[...] = fp * dflag[:, None]


def _prep_kernel(partials, flat, p2, s2, attn_src_p, attn_dst_p):
    blk = 1024
    kp = _H * _FP
    return pl.pallas_call(
        _prep_body,
        grid=(_CN // blk,),
        in_specs=[
            pl.BlockSpec((2, _NW, blk), lambda i: (0, 0, i)),
            pl.BlockSpec((_NT * blk, _IF), lambda i: (i, 0)),
            pl.BlockSpec((_NT, _IF, kp), lambda i: (0, 0, 0)),
            pl.BlockSpec((kp, _H), lambda i: (0, 0)),
            pl.BlockSpec((1, kp), lambda i: (0, 0)),
            pl.BlockSpec((1, kp), lambda i: (0, 0)),
        ],
        out_specs=[
            pl.BlockSpec((blk, _H), lambda i: (i, 0)),
            pl.BlockSpec((blk, _H), lambda i: (i, 0)),
            pl.BlockSpec((_H, blk), lambda i: (0, i)),
            pl.BlockSpec((blk, kp), lambda i: (i, 0)),
        ],
        out_shape=[
            jax.ShapeDtypeStruct((_CN, _H), jnp.float32),
            jax.ShapeDtypeStruct((_CN, _H), jnp.float32),
            jax.ShapeDtypeStruct((_H, _CN), jnp.float32),
            jax.ShapeDtypeStruct((_CN, kp), jnp.float32),
        ],
    )(partials, flat, p2, s2, attn_src_p, attn_dst_p)


def _lrelu(z):
    return jnp.maximum(z, 0.2 * z)


_UT = _N // 128
_R = _UT * _H


def _main_body(asrc_ref, bb_ref, adt_ref, fd_ref, e_ref, a_ref, o_ref):
    asrc = asrc_ref[...]
    em = e_ref[...]
    bb = bb_ref[...]
    ae0 = jnp.dot(asrc[0], em, preferred_element_type=jnp.float32)
    ae1 = jnp.dot(asrc[1], em, preferred_element_type=jnp.float32)
    z0 = _lrelu(ae0[:, :, None] + bb[0][None, :, :])
    z1 = _lrelu(ae1[:, :, None] + bb[1][None, :, :])
    a0 = 1.0 / (1.0 + jnp.exp(z1 - z0))
    a_ref[0] = a0
    a_ref[1] = 1.0 - a0

    acc0 = jnp.zeros((_V, _FP), jnp.float32)
    acc1 = jnp.zeros((_V, _FP), jnp.float32)
    for h in range(_H):
        zh0 = _lrelu(asrc[0, :, h][:, None] + adt_ref[h, 0:_N][None, :])
        zh1 = _lrelu(asrc[1, :, h][:, None] + adt_ref[h, _N:2 * _N][None, :])
        ah0 = 1.0 / (1.0 + jnp.exp(zh1 - zh0))
        ah1 = 1.0 - ah0
        fd0 = fd_ref[0, :, _FP * h:_FP * (h + 1)]
        fd1 = fd_ref[1, :, _FP * h:_FP * (h + 1)]
        acc0 = acc0 + jax.nn.relu(
            jnp.dot(ah0, fd0, preferred_element_type=jnp.float32))
        acc1 = acc1 + jax.nn.relu(
            jnp.dot(ah1, fd1, preferred_element_type=jnp.float32))
    o_ref[0] = acc0[:, :_F]
    o_ref[1] = acc1[:, :_F]


def _main_kernel(asrc3, bb, adt, featd3, em):
    return pl.pallas_call(
        _main_body,
        grid=(_N // _V,),
        in_specs=[
            pl.BlockSpec((_C, _V, _H), lambda i: (0, i, 0)),
            pl.BlockSpec((_C, _R, 128), lambda i: (0, 0, 0)),
            pl.BlockSpec((_H, _CN), lambda i: (0, 0)),
            pl.BlockSpec((_C, _N, _H * _FP), lambda i: (0, 0, 0)),
            pl.BlockSpec((_H, _R), lambda i: (0, 0)),
        ],
        out_specs=[
            pl.BlockSpec((_C, _V, _R, 128), lambda i: (0, i, 0, 0)),
            pl.BlockSpec((_C, _V, _F), lambda i: (0, i, 0)),
        ],
        out_shape=[
            jax.ShapeDtypeStruct((_C, _N, _R, 128), jnp.float32),
            jax.ShapeDtypeStruct((_C, _N, _F), jnp.float32),
        ],
    )(asrc3, bb, adt, featd3, em)


def kernel(edge_idx, node_feats, fc, attn_src, attn_dst):
    edge_idx = edge_idx.astype(jnp.int32)

    partials = _sc_mask_partials(edge_idx)

    ht = node_feats.transpose(0, 2, 1, 3)
    feat4 = _feat_kernel(ht, fc)
    flat = feat4.reshape(_CN * _NT, _IF)

    p2, s2 = _perm_matrices()
    asrc, adst, adt, featd3 = _prep_kernel(
        partials, flat, p2, s2, _pad_attn(attn_src), _pad_attn(attn_dst))

    asrc3 = asrc.reshape(_C, _N, _H)
    bb = adst.reshape(_C, _UT, 128, _H).transpose(0, 1, 3, 2).reshape(
        _C, _R, 128)
    featd3 = featd3.reshape(_C, _N, _H * _FP)

    em = (jax.lax.broadcasted_iota(jnp.int32, (_H, _R), 1) % _H
          == jax.lax.broadcasted_iota(jnp.int32, (_H, _R), 0)
          ).astype(jnp.float32)

    a4, outs = _main_kernel(asrc3, bb, adt, featd3, em)

    a = a4.reshape(_C, _N, _UT, _H, 128).transpose(0, 1, 2, 4, 3).reshape(
        _C, _N, _N, _H)
    outs4 = outs.reshape(_C, _N, _NT, _OF)
    return (outs4, a)

# --- scband reference (transcript-rebuilt; emitter-appended) ---
"""Pipeline reference for scband-slot-gatlayer-90031104459541 (READ-ONLY COPY).

The authoritative reference and input builder live on the scoring server;
editing this copy changes nothing except your own understanding.
"""

import jax, jax.numpy as jnp
import numpy as np

NUM_CONFS = 2
NUM_NODES = 2048
NUM_NODE_TYPES = 3
IN_FEAT = 128
OUT_FEAT = 32
NUM_HEADS = 4
NUM_EDGES = 65536


def setup_inputs(seed: int = 0):
    key = jax.random.key(seed)
    k1, k2, k3, k4, k5 = jax.random.split(key, 5)
    node_feats = jax.random.normal(k1, (NUM_CONFS, NUM_NODES, NUM_NODE_TYPES, IN_FEAT), dtype=jnp.float32)
    edge_idx = jax.random.randint(k2, (2, NUM_EDGES), 0, NUM_CONFS * NUM_NODES)
    # xavier-normal-ish init with gain=sqrt(2) as in reset_parameters
    g = np.sqrt(2.0)
    std_fc = g * np.sqrt(2.0 / (IN_FEAT + OUT_FEAT * NUM_HEADS))
    fc = jax.random.normal(k3, (NUM_NODE_TYPES, IN_FEAT, OUT_FEAT * NUM_HEADS), dtype=jnp.float32) * std_fc
    std_a = g * np.sqrt(2.0 / (NUM_HEADS + OUT_FEAT * NUM_NODE_TYPES))
    attn_src = jax.random.normal(k4, (1, NUM_HEADS, OUT_FEAT * NUM_NODE_TYPES), dtype=jnp.float32) * std_a
    attn_dst = jax.random.normal(k5, (1, NUM_HEADS, OUT_FEAT * NUM_NODE_TYPES), dtype=jnp.float32) * std_a
    return {"edge_idx": edge_idx, "node_feats": node_feats, "fc": fc, "attn_src": attn_src, "attn_dst": attn_dst}


def reference(edge_idx, node_feats, fc, attn_src, attn_dst):
    C, N = node_feats.shape[0], node_feats.shape[1]
    NT, IF, OF, H = NUM_NODE_TYPES, IN_FEAT, OUT_FEAT, NUM_HEADS
    # feat_drop p=0.0 -> identity
    h_src = node_feats.reshape(-1, NT, IF)
    # a_edge = 0 since edge_attr defaults to 0 and edge_feat=0
    feat = jnp.einsum('bji,jik->bjk', h_src, fc)
    feat = feat.reshape(C, N, NT, OF * H)
    feat = jnp.transpose(feat, (0, 2, 1, 3)).reshape(C, -1, NT, H, OF)
    feat = jnp.transpose(feat, (0, 1, 3, 2, 4)).reshape(C, N, H, NT * OF)
    feat_src = feat.reshape(-1, H, OF * NT)
    feat_dst = feat_src
    mask_src = jnp.zeros((C * N, H, NT * OF), dtype=jnp.float32).at[edge_idx[0]].set(1.0)
    mask_dst = jnp.zeros((C * N, H, NT * OF), dtype=jnp.float32).at[edge_idx[1]].set(1.0)
    feat_src = feat_src * mask_src
    feat_dst = feat_dst * mask_dst
    a_src = jnp.clip((feat_src * attn_src).reshape(C, N, H, OF * NT), -1e9, 1e9).sum(axis=-1)
    a_dst = jnp.clip((feat_dst * attn_dst).reshape(C, N, H, OF * NT), -1e9, 1e9).sum(axis=-1)
    a = a_src[:, :, None, :] + a_dst[:, None, :, :]  # [C, N, N, H]
    a = jax.nn.leaky_relu(a, negative_slope=0.2)
    a = jnp.clip(a, -1e9, 1e9)
    a = jax.nn.softmax(a, axis=0)  # faithful: softmax over conf dim as in source
    # attn_drop p=0.0 -> identity; res_attn is None
    feat_dst_v = feat_dst.reshape(C, N, H, NT * OF)
    m = jnp.einsum('cvuh,cuhf->cvhf', a, feat_dst_v)
    m = jax.nn.relu(m)
    m = m.reshape(C, N, H, NT, OF)
    outs = m.sum(axis=2)
    # residual=False -> residual_fc is None buffer; activation None; bias False
    return (outs, a)

if __name__ == "__main__":
    import jax
    _d = setup_inputs()
    print(jax.jit(kernel)(*tuple(_d.values())))

</pallas_src>

<mosaic_0001>
#map = affine_map<(d0, d1) -> (0, 0)>
#map1 = affine_map<(d0, d1) -> (0, 0, 0)>
module attributes {stable_mosaic.version = 14 : i64} {
  func.func @_sc_masks_body(%arg0: i32, %arg1: i32, %arg2: memref<2x65536xi32, #tpu.memory_space<hbm>>, %arg3: memref<2x32x4096xf32, #tpu.memory_space<hbm>>, %arg4: memref<2048xi32, #tpu.memory_space<vmem>>, %arg5: memref<2048xi32, #tpu.memory_space<vmem>>, %arg6: memref<4096xf32, #tpu.memory_space<vmem>>, %arg7: memref<4096xf32, #tpu.memory_space<vmem>>) attributes {dimension_semantics = [#tpu.dimension_semantics<core_parallel>, #tpu.dimension_semantics<subcore_parallel>], iteration_bounds = array<i64: 2, 16>, scalar_prefetch = 0 : i64, scratch_operands = 4 : i64, tpu.core_type = #tpu.core_type<sc_vector_subcore>, window_params = [{transform_indices = #map}, {transform_indices = #map1}]} {
    %mul3A = arith.constant 2 : i32
    %mul3A_0 = arith.muli %arg1, %mul3A : i32
    %add3A = arith.addi %mul3A_0, %arg0 : i32
    %mul3A_1 = arith.constant 2048 : i32
    %mul3A_2 = arith.muli %add3A, %mul3A_1 : i32
    %run_scoped3A = arith.constant 0 : i32
    "tpu.region"() ({
      %run_scoped3A_20 = tpu.sem_alloc : memref<!tpu.dma_semaphore, #tpu.memory_space<semaphore_mem>>
      %dma_start3A = tpu.memref_slice %arg2[%run_scoped3A, %mul3A_2] : memref<2x65536xi32, #tpu.memory_space<hbm>> -> memref<1x2048xi32, #tpu.memory_space<hbm>>
      %dma_start3A_21 = tpu.memref_squeeze %dma_start3A : memref<1x2048xi32, #tpu.memory_space<hbm>> -> memref<2048xi32, #tpu.memory_space<hbm>>
      %dma_start3A_22 = tpu.memref_slice %arg2[%run_scoped3A, %mul3A_2] : memref<2x65536xi32, #tpu.memory_space<hbm>> -> memref<1x2048xi32, #tpu.memory_space<hbm>>
      %dma_start3A_23 = tpu.memref_squeeze %dma_start3A_22 : memref<1x2048xi32, #tpu.memory_space<hbm>> -> memref<2048xi32, #tpu.memory_space<hbm>>
      tpu.enqueue_dma source(%dma_start3A_23 : memref<2048xi32, #tpu.memory_space<hbm>>) target(%arg4 : memref<2048xi32, #tpu.memory_space<vmem>>) target_semaphore(%run_scoped3A_20 : memref<!tpu.dma_semaphore, #tpu.memory_space<semaphore_mem>>)
      %dma_wait3A = tpu.memref_slice %arg2[%run_scoped3A, %mul3A_2] : memref<2x65536xi32, #tpu.memory_space<hbm>> -> memref<1x2048xi32, #tpu.memory_space<hbm>>
      %dma_wait3A_24 = tpu.memref_squeeze %dma_wait3A : memref<1x2048xi32, #tpu.memory_space<hbm>> -> memref<2048xi32, #tpu.memory_space<hbm>>
      %dma_wait3A_25 = tpu.memref_slice %arg2[%run_scoped3A, %mul3A_2] : memref<2x65536xi32, #tpu.memory_space<hbm>> -> memref<1x2048xi32, #tpu.memory_space<hbm>>
      %dma_wait3A_26 = tpu.memref_squeeze %dma_wait3A_25 : memref<1x2048xi32, #tpu.memory_space<hbm>> -> memref<2048xi32, #tpu.memory_space<hbm>>
      tpu.wait_dma2 semaphore(%run_scoped3A_20 : memref<!tpu.dma_semaphore, #tpu.memory_space<semaphore_mem>>) src(%dma_wait3A_26 : memref<2048xi32, #tpu.memory_space<hbm>>) dst(%arg4 : memref<2048xi32, #tpu.memory_space<vmem>>)
      tpu.yield
    }) : () -> ()
    %run_scoped3A_3 = arith.constant 1 : i32
    "tpu.region"() ({
      %run_scoped3A_20 = tpu.sem_alloc : memref<!tpu.dma_semaphore, #tpu.memory_space<semaphore_mem>>
      %dma_start3A = tpu.memref_slice %arg2[%run_scoped3A_3, %mul3A_2] : memref<2x65536xi32, #tpu.memory_space<hbm>> -> memref<1x2048xi32, #tpu.memory_space<hbm>>
      %dma_start3A_21 = tpu.memref_squeeze %dma_start3A : memref<1x2048xi32, #tpu.memory_space<hbm>> -> memref<2048xi32, #tpu.memory_space<hbm>>
      %dma_start3A_22 = tpu.memref_slice %arg2[%run_scoped3A_3, %mul3A_2] : memref<2x65536xi32, #tpu.memory_space<hbm>> -> memref<1x2048xi32, #tpu.memory_space<hbm>>
      %dma_start3A_23 = tpu.memref_squeeze %dma_start3A_22 : memref<1x2048xi32, #tpu.memory_space<hbm>> -> memref<2048xi32, #tpu.memory_space<hbm>>
      tpu.enqueue_dma source(%dma_start3A_23 : memref<2048xi32, #tpu.memory_space<hbm>>) target(%arg5 : memref<2048xi32, #tpu.memory_space<vmem>>) target_semaphore(%run_scoped3A_20 : memref<!tpu.dma_semaphore, #tpu.memory_space<semaphore_mem>>)
      %dma_wait3A = tpu.memref_slice %arg2[%run_scoped3A_3, %mul3A_2] : memref<2x65536xi32, #tpu.memory_space<hbm>> -> memref<1x2048xi32, #tpu.memory_space<hbm>>
      %dma_wait3A_24 = tpu.memref_squeeze %dma_wait3A : memref<1x2048xi32, #tpu.memory_space<hbm>> -> memref<2048xi32, #tpu.memory_space<hbm>>
      %dma_wait3A_25 = tpu.memref_slice %arg2[%run_scoped3A_3, %mul3A_2] : memref<2x65536xi32, #tpu.memory_space<hbm>> -> memref<1x2048xi32, #tpu.memory_space<hbm>>
      %dma_wait3A_26 = tpu.memref_squeeze %dma_wait3A_25 : memref<1x2048xi32, #tpu.memory_space<hbm>> -> memref<2048xi32, #tpu.memory_space<hbm>>
      tpu.wait_dma2 semaphore(%run_scoped3A_20 : memref<!tpu.dma_semaphore, #tpu.memory_space<semaphore_mem>>) src(%dma_wait3A_26 : memref<2048xi32, #tpu.memory_space<hbm>>) dst(%arg5 : memref<2048xi32, #tpu.memory_space<vmem>>)
      tpu.yield
    }) : () -> ()
    %broadcast_in_dim3A = arith.constant 0.000000e+00 : f32
    %broadcast_in_dim3A_4 = vector.broadcast %broadcast_in_dim3A : f32 to vector<16xf32>
    %scan3A = arith.constant 0 : i32
    %scan3A_5 = arith.constant 0 : i32
    %scan3A_6 = arith.constant 256 : i32
    %scan3A_7 = arith.addi %scan3A_5, %scan3A_6 : i32
    %scan3A_8 = arith.constant 1 : i32
    scf.for %scan3A_20 = %scan3A_5 to %scan3A_7 step %scan3A_8  : i32 {
      %mul3A_21 = arith.constant 16 : i32
      %mul3A_22 = arith.muli %scan3A_20, %mul3A_21 : i32
      %swap3A = arith.index_cast %mul3A_22 : i32 to index
      %swap3A_23 = tpu.vector_load %arg6[%swap3A] {strides = array<i32>} : memref<4096xf32, #tpu.memory_space<vmem>>, vector<16xf32>,
      tpu.vector_store %arg6[%swap3A], %broadcast_in_dim3A_4 {strides = array<i32>} : memref<4096xf32, #tpu.memory_space<vmem>>, vector<16xf32>,
      %mul3A_24 = arith.constant 16 : i32
      %mul3A_25 = arith.muli %scan3A_20, %mul3A_24 : i32
      %swap3A_26 = arith.index_cast %mul3A_25 : i32 to index
      %swap3A_27 = tpu.vector_load %arg7[%swap3A_26] {strides = array<i32>} : memref<4096xf32, #tpu.memory_space<vmem>>, vector<16xf32>,
      tpu.vector_store %arg7[%swap3A_26], %broadcast_in_dim3A_4 {strides = array<i32>} : memref<4096xf32, #tpu.memory_space<vmem>>, vector<16xf32>,
    }
    %scan3A_9 = arith.constant 256 : i32
    %broadcast_in_dim3A_10 = arith.constant 1.000000e+00 : f32
    %broadcast_in_dim3A_11 = vector.broadcast %broadcast_in_dim3A_10 : f32 to vector<16xf32>
    %scan3A_12 = arith.constant 0 : i32
    %scan3A_13 = arith.constant 0 : i32
    %scan3A_14 = arith.constant 128 : i32
    %scan3A_15 = arith.addi %scan3A_13, %scan3A_14 : i32
    %scan3A_16 = arith.constant 1 : i32
    scf.for %scan3A_20 = %scan3A_13 to %scan3A_15 step %scan3A_16  : i32 {
      %mul3A_21 = arith.constant 16 : i32
      %mul3A_22 = arith.muli %scan3A_20, %mul3A_21 : i32
      %get3A = arith.index_cast %mul3A_22 : i32 to index
      %get3A_23 = tpu.vector_load %arg4[%get3A] {strides = array<i32>} : memref<2048xi32, #tpu.memory_space<vmem>>, vector<16xi32>,
      tpu.vector_store_idx %arg6[%get3A_23], %broadcast_in_dim3A_11 : memref<4096xf32, #tpu.memory_space<vmem>>[vector<16xi32>], vector<16xf32>,
      %mul3A_24 = arith.constant 16 : i32
      %mul3A_25 = arith.muli %scan3A_20, %mul3A_24 : i32
      %get3A_26 = arith.index_cast %mul3A_25 : i32 to index
      %get3A_27 = tpu.vector_load %arg5[%get3A_26] {strides = array<i32>} : memref<2048xi32, #tpu.memory_space<vmem>>, vector<16xi32>,
      tpu.vector_store_idx %arg7[%get3A_27], %broadcast_in_dim3A_11 : memref<4096xf32, #tpu.memory_space<vmem>>[vector<16xi32>], vector<16xf32>,
    }
    %scan3A_17 = arith.constant 128 : i32
    %run_scoped3A_18 = arith.constant 0 : i32
    "tpu.region"() ({
      %run_scoped3A_20 = tpu.sem_alloc : memref<!tpu.dma_semaphore, #tpu.memory_space<semaphore_mem>>
      %dma_start3A = arith.constant 0 : i32
      %dma_start3A_21 = tpu.memref_slice %arg3[%run_scoped3A_18, %add3A, %dma_start3A] : memref<2x32x4096xf32, #tpu.memory_space<hbm>> -> memref<1x1x4096xf32, #tpu.memory_space<hbm>>
      %dma_start3A_22 = tpu.memref_squeeze %dma_start3A_21 : memref<1x1x4096xf32, #tpu.memory_space<hbm>> -> memref<4096xf32, #tpu.memory_space<hbm>>
      %dma_start3A_23 = arith.constant 0 : i32
      %dma_start3A_24 = tpu.memref_slice %arg3[%run_scoped3A_18, %add3A, %dma_start3A_23] : memref<2x32x4096xf32, #tpu.memory_space<hbm>> -> memref<1x1x4096xf32, #tpu.memory_space<hbm>>
      %dma_start3A_25 = tpu.memref_squeeze %dma_start3A_24 : memref<1x1x4096xf32, #tpu.memory_space<hbm>> -> memref<4096xf32, #tpu.memory_space<hbm>>
      tpu.enqueue_dma source(%arg6 : memref<4096xf32, #tpu.memory_space<vmem>>) target(%dma_start3A_25 : memref<4096xf32, #tpu.memory_space<hbm>>) target_semaphore(%run_scoped3A_20 : memref<!tpu.dma_semaphore, #tpu.memory_space<semaphore_mem>>)
      %dma_wait3A = arith.constant 0 : i32
      %dma_wait3A_26 = tpu.memref_slice %arg3[%run_scoped3A_18, %add3A, %dma_wait3A] : memref<2x32x4096xf32, #tpu.memory_space<hbm>> -> memref<1x1x4096xf32, #tpu.memory_space<hbm>>
      %dma_wait3A_27 = tpu.memref_squeeze %dma_wait3A_26 : memref<1x1x4096xf32, #tpu.memory_space<hbm>> -> memref<4096xf32, #tpu.memory_space<hbm>>
      %dma_wait3A_28 = arith.constant 0 : i32
      %dma_wait3A_29 = tpu.memref_slice %arg3[%run_scoped3A_18, %add3A, %dma_wait3A_28] : memref<2x32x4096xf32, #tpu.memory_space<hbm>> -> memref<1x1x4096xf32, #tpu.memory_space<hbm>>
      %dma_wait3A_30 = tpu.memref_squeeze %dma_wait3A_29 : memref<1x1x4096xf32, #tpu.memory_space<hbm>> -> memref<4096xf32, #tpu.memory_space<hbm>>
      tpu.wait_dma2 semaphore(%run_scoped3A_20 : memref<!tpu.dma_semaphore, #tpu.memory_space<semaphore_mem>>) src(%arg6 : memref<4096xf32, #tpu.memory_space<vmem>>) dst(%dma_wait3A_30 : memref<4096xf32, #tpu.memory_space<hbm>>)
      tpu.yield
    }) : () -> ()
    %run_scoped3A_19 = arith.constant 1 : i32
    "tpu.region"() ({
      %run_scoped3A_20 = tpu.sem_alloc : memref<!tpu.dma_semaphore, #tpu.memory_space<semaphore_mem>>
      %dma_start3A = arith.constant 0 : i32
      %dma_start3A_21 = tpu.memref_slice %arg3[%run_scoped3A_19, %add3A, %dma_start3A] : memref<2x32x4096xf32, #tpu.memory_space<hbm>> -> memref<1x1x4096xf32, #tpu.memory_space<hbm>>
      %dma_start3A_22 = tpu.memref_squeeze %dma_start3A_21 : memref<1x1x4096xf32, #tpu.memory_space<hbm>> -> memref<4096xf32, #tpu.memory_space<hbm>>
      %dma_start3A_23 = arith.constant 0 : i32
      %dma_start3A_24 = tpu.memref_slice %arg3[%run_scoped3A_19, %add3A, %dma_start3A_23] : memref<2x32x4096xf32, #tpu.memory_space<hbm>> -> memref<1x1x4096xf32, #tpu.memory_space<hbm>>
      %dma_start3A_25 = tpu.memref_squeeze %dma_start3A_24 : memref<1x1x4096xf32, #tpu.memory_space<hbm>> -> memref<4096xf32, #tpu.memory_space<hbm>>
      tpu.enqueue_dma source(%arg7 : memref<4096xf32, #tpu.memory_space<vmem>>) target(%dma_start3A_25 : memref<4096xf32, #tpu.memory_space<hbm>>) target_semaphore(%run_scoped3A_20 : memref<!tpu.dma_semaphore, #tpu.memory_space<semaphore_mem>>)
      %dma_wait3A = arith.constant 0 : i32
      %dma_wait3A_26 = tpu.memref_slice %arg3[%run_scoped3A_19, %add3A, %dma_wait3A] : memref<2x32x4096xf32, #tpu.memory_space<hbm>> -> memref<1x1x4096xf32, #tpu.memory_space<hbm>>
      %dma_wait3A_27 = tpu.memref_squeeze %dma_wait3A_26 : memref<1x1x4096xf32, #tpu.memory_space<hbm>> -> memref<4096xf32, #tpu.memory_space<hbm>>
      %dma_wait3A_28 = arith.constant 0 : i32
      %dma_wait3A_29 = tpu.memref_slice %arg3[%run_scoped3A_19, %add3A, %dma_wait3A_28] : memref<2x32x4096xf32, #tpu.memory_space<hbm>> -> memref<1x1x4096xf32, #tpu.memory_space<hbm>>
      %dma_wait3A_30 = tpu.memref_squeeze %dma_wait3A_29 : memref<1x1x4096xf32, #tpu.memory_space<hbm>> -> memref<4096xf32, #tpu.memory_space<hbm>>
      tpu.wait_dma2 semaphore(%run_scoped3A_20 : memref<!tpu.dma_semaphore, #tpu.memory_space<semaphore_mem>>) src(%arg7 : memref<4096xf32, #tpu.memory_space<vmem>>) dst(%dma_wait3A_30 : memref<4096xf32, #tpu.memory_space<hbm>>)
      tpu.yield
    }) : () -> ()
    return
  }
}

module attributes {stable_mosaic.version = 14 : i64} {
  func.func @_prep_body(%arg0: i32, %arg1: memref<2x32x1024xf32, #tpu.memory_space<vmem>>, %arg2: memref<3072x128xf32, #tpu.memory_space<vmem>>, %arg3: memref<3x128x512xf32, #tpu.memory_space<vmem>>, %arg4: memref<512x4xf32, #tpu.memory_space<vmem>>, %arg5: memref<1x512xf32, #tpu.memory_space<vmem>>, %arg6: memref<1x512xf32, #tpu.memory_space<vmem>>, %arg7: memref<1024x4xf32, #tpu.memory_space<vmem>>, %arg8: memref<1024x4xf32, #tpu.memory_space<vmem>>, %arg9: memref<4x1024xf32, #tpu.memory_space<vmem>>, %arg10: memref<1024x512xf32, #tpu.memory_space<vmem>>) attributes {dimension_semantics = [#tpu.dimension_semantics<arbitrary>], iteration_bounds = array<i64: 4>, scalar_prefetch = 0 : i64, scratch_operands = 0 : i64, tpu.core_type = #tpu.core_type<tc>, window_params = [{transform_indices = @transform_0, window_bounds = array<i64: 2, 32, 1024>}, {transform_indices = @transform_1, window_bounds = array<i64: 3072, 128>}, {pipeline_mode = #tpu.pipeline_mode<synchronous>, transform_indices = @transform_2, window_bounds = array<i64: 3, 128, 512>}, {pipeline_mode = #tpu.pipeline_mode<synchronous>, transform_indices = @transform_3, window_bounds = array<i64: 512, 4>}, {pipeline_mode = #tpu.pipeline_mode<synchronous>, transform_indices = @transform_4, window_bounds = array<i64: 1, 512>}, {pipeline_mode = #tpu.pipeline_mode<synchronous>, transform_indices = @transform_5, window_bounds = array<i64: 1, 512>}, {transform_indices = @transform_6, window_bounds = array<i64: 1024, 4>}, {transform_indices = @transform_7, window_bounds = array<i64: 1024, 4>}, {transform_indices = @transform_8, window_bounds = array<i64: 4, 1024>}, {transform_indices = @transform_9, window_bounds = array<i64: 1024, 512>}]} {
    %get3A = arith.constant 0 : index
    %get3A_0 = arith.constant 0 : index
    %get3A_1 = arith.constant 0 : index
    %get3A_2 = vector.load %arg1[%get3A, %get3A_0, %get3A_1] : memref<2x32x1024xf32, #tpu.memory_space<vmem>>, vector<2x32x1024xf32>
    %reduce_sum3A = arith.constant dense<0.000000e+00> : vector<2x1024xf32>
    %reduce_sum3A_3 = vector.multi_reduction <add>, %get3A_2, %reduce_sum3A [1] : vector<2x32x1024xf32> to vector<2x1024xf32>
    %slice3A = vector.extract_strided_slice %reduce_sum3A_3 {offsets = [0, 0], sizes = [1, 1024], strides = [1, 1]} : vector<2x1024xf32> to vector<1x1024xf32>
    %squeeze3A = vector.shape_cast %slice3A : vector<1x1024xf32> to vector<1024xf32>
    %gt3A = arith.constant 0.000000e+00 : f32
    %gt3A_4 = vector.broadcast %gt3A : f32 to vector<1024xf32>
    %gt3A_5 = arith.cmpf ogt, %squeeze3A, %gt3A_4 : vector<1024xf32>
    %convert_element_type3A = arith.extui %gt3A_5 : vector<1024xi1> to vector<1024xi32>
    %convert_element_type3A_6 = arith.sitofp %convert_element_type3A : vector<1024xi32> to vector<1024xf32>
    %slice3A_7 = vector.extract_strided_slice %reduce_sum3A_3 {offsets = [1, 0], sizes = [1, 1024], strides = [1, 1]} : vector<2x1024xf32> to vector<1x1024xf32>
    %squeeze3A_8 = vector.shape_cast %slice3A_7 : vector<1x1024xf32> to vector<1024xf32>
    %gt3A_9 = arith.constant 0.000000e+00 : f32
    %gt3A_10 = vector.broadcast %gt3A_9 : f32 to vector<1024xf32>
    %gt3A_11 = arith.cmpf ogt, %squeeze3A_8, %gt3A_10 : vector<1024xf32>
    %convert_element_type3A_12 = arith.extui %gt3A_11 : vector<1024xi1> to vector<1024xi32>
    %convert_element_type3A_13 = arith.sitofp %convert_element_type3A_12 : vector<1024xi32> to vector<1024xf32>
    %get3A_14 = arith.constant 0 : index
    %get3A_15 = arith.constant 0 : index
    %get3A_16 = vector.load %arg2[%get3A_14, %get3A_15] : memref<3072x128xf32, #tpu.memory_space<vmem>>, vector<3072x128xf32>
    %reshape3A = vector.shape_cast %get3A_16 : vector<3072x128xf32> to vector<1024x3x128xf32>
    %slice3A_17 = vector.extract_strided_slice %reshape3A {offsets = [0, 0, 0], sizes = [1024, 1, 128], strides = [1, 1, 1]} : vector<1024x3x128xf32> to vector<1024x1x128xf32>
    %squeeze3A_18 = vector.shape_cast %slice3A_17 : vector<1024x1x128xf32> to vector<1024x128xf32>
    %get3A_19 = arith.constant 0 : index
    %get3A_20 = arith.constant 0 : index
    %get3A_21 = arith.constant 0 : index
    %get3A_22 = vector.load %arg3[%get3A_19, %get3A_20, %get3A_21] : memref<3x128x512xf32, #tpu.memory_space<vmem>>, vector<1x128x512xf32>
    %get3A_23 = vector.shape_cast %get3A_22 : vector<1x128x512xf32> to vector<128x512xf32>
    %dot_general3A = arith.constant dense<0.000000e+00> : vector<1024x512xf32>
    %dot_general3A_24 = tpu.matmul %squeeze3A_18, %get3A_23, %dot_general3A {dimension_numbers = #tpu.dot_dimension_numbers<[1], [0], [0], [1], [0, 0, 1, 1], [], []>, transpose_lhs_hint = false} : vector<1024x128xf32>, vector<128x512xf32>, vector<1024x512xf32> -> vector<1024x512xf32>
    %slice3A_25 = vector.extract_strided_slice %reshape3A {offsets = [0, 1, 0], sizes = [1024, 1, 128], strides = [1, 1, 1]} : vector<1024x3x128xf32> to vector<1024x1x128xf32>
    %squeeze3A_26 = vector.shape_cast %slice3A_25 : vector<1024x1x128xf32> to vector<1024x128xf32>
    %get3A_27 = arith.constant 1 : index
    %get3A_28 = arith.constant 0 : index
    %get3A_29 = arith.constant 0 : index
    %get3A_30 = vector.load %arg3[%get3A_27, %get3A_28, %get3A_29] : memref<3x128x512xf32, #tpu.memory_space<vmem>>, vector<1x128x512xf32>
    %get3A_31 = vector.shape_cast %get3A_30 : vector<1x128x512xf32> to vector<128x512xf32>
    %dot_general3A_32 = arith.constant dense<0.000000e+00> : vector<1024x512xf32>
    %dot_general3A_33 = tpu.matmul %squeeze3A_26, %get3A_31, %dot_general3A_32 {dimension_numbers = #tpu.dot_dimension_numbers<[1], [0], [0], [1], [0, 0, 1, 1], [], []>, transpose_lhs_hint = false} : vector<1024x128xf32>, vector<128x512xf32>, vector<1024x512xf32> -> vector<1024x512xf32>
    %add3A = arith.addf %dot_general3A_24, %dot_general3A_33 : vector<1024x512xf32>
    %slice3A_34 = vector.extract_strided_slice %reshape3A {offsets = [0, 2, 0], sizes = [1024, 1, 128], strides = [1, 1, 1]} : vector<1024x3x128xf32> to vector<1024x1x128xf32>
    %squeeze3A_35 = vector.shape_cast %slice3A_34 : vector<1024x1x128xf32> to vector<1024x128xf32>
    %get3A_36 = arith.constant 2 : index
    %get3A_37 = arith.constant 0 : index
    %get3A_38 = arith.constant 0 : index
    %get3A_39 = vector.load %arg3[%get3A_36, %get3A_37, %get3A_38] : memref<3x128x512xf32, #tpu.memory_space<vmem>>, vector<1x128x512xf32>
    %get3A_40 = vector.shape_cast %get3A_39 : vector<1x128x512xf32> to vector<128x512xf32>
    %dot_general3A_41 = arith.constant dense<0.000000e+00> : vector<1024x512xf32>
    %dot_general3A_42 = tpu.matmul %squeeze3A_35, %get3A_40, %dot_general3A_41 {dimension_numbers = #tpu.dot_dimension_numbers<[1], [0], [0], [1], [0, 0, 1, 1], [], []>, transpose_lhs_hint = false} : vector<1024x128xf32>, vector<128x512xf32>, vector<1024x512xf32> -> vector<1024x512xf32>
    %add3A_43 = arith.addf %add3A, %dot_general3A_42 : vector<1024x512xf32>
    %get3A_44 = arith.constant 0 : index
    %get3A_45 = arith.constant 0 : index
    %get3A_46 = vector.load %arg5[%get3A_44, %get3A_45] : memref<1x512xf32, #tpu.memory_space<vmem>>, vector<1x512xf32>
    %mul3A = vector.broadcast %get3A_46 : vector<1x512xf32> to vector<1024x512xf32>
    %mul3A_47 = arith.mulf %add3A_43, %mul3A : vector<1024x512xf32>
    %jit3A = arith.constant -1.000000e+09 : f32
    %jit3A_48 = arith.constant 1.000000e+09 : f32
    %max3A = vector.broadcast %jit3A : f32 to vector<1024x512xf32>
    %max3A_49 = arith.maximumf %max3A, %mul3A_47 : vector<1024x512xf32>
    %min3A = vector.broadcast %jit3A_48 : f32 to vector<1024x512xf32>
    %min3A_50 = arith.minimumf %min3A, %max3A_49 : vector<1024x512xf32>
    %get3A_51 = arith.constant 0 : index
    %get3A_52 = arith.constant 0 : index
    %get3A_53 = vector.load %arg4[%get3A_51, %get3A_52] : memref<512x4xf32, #tpu.memory_space<vmem>>, vector<512x4xf32>
    %dot_general3A_54 = arith.constant dense<0.000000e+00> : vector<1024x4xf32>
    %dot_general3A_55 = tpu.matmul %min3A_50, %get3A_53, %dot_general3A_54 {dimension_numbers = #tpu.dot_dimension_numbers<[1], [0], [0], [1], [0, 0, 1, 1], [], []>, transpose_lhs_hint = false} : vector<1024x512xf32>, vector<512x4xf32>, vector<1024x4xf32> -> vector<1024x4xf32>
    %broadcast_in_dim3A = vector.shape_cast %convert_element_type3A_6 : vector<1024xf32> to vector<1024x1xf32>
    %mul3A_56 = vector.broadcast %broadcast_in_dim3A : vector<1024x1xf32> to vector<1024x4xf32>
    %mul3A_57 = arith.mulf %dot_general3A_55, %mul3A_56 : vector<1024x4xf32>
    %swap3A = arith.constant 0 : index
    %swap3A_58 = arith.constant 0 : index
    %swap3A_59 = vector.load %arg7[%swap3A, %swap3A_58] : memref<1024x4xf32, #tpu.memory_space<vmem>>, vector<1024x4xf32>
    tpu.vector_store %arg7[%swap3A, %swap3A_58], %mul3A_57 {strides = array<i32>} : memref<1024x4xf32, #tpu.memory_space<vmem>>, vector<1024x4xf32>,
    %get3A_60 = arith.constant 0 : index
    %get3A_61 = arith.constant 0 : index
    %get3A_62 = vector.load %arg6[%get3A_60, %get3A_61] : memref<1x512xf32, #tpu.memory_space<vmem>>, vector<1x512xf32>
    %mul3A_63 = vector.broadcast %get3A_62 : vector<1x512xf32> to vector<1024x512xf32>
    %mul3A_64 = arith.mulf %add3A_43, %mul3A_63 : vector<1024x512xf32>
    %jit3A_65 = arith.constant -1.000000e+09 : f32
    %jit3A_66 = arith.constant 1.000000e+09 : f32
    %max3A_67 = vector.broadcast %jit3A_65 : f32 to vector<1024x512xf32>
    %max3A_68 = arith.maximumf %max3A_67, %mul3A_64 : vector<1024x512xf32>
    %min3A_69 = vector.broadcast %jit3A_66 : f32 to vector<1024x512xf32>
    %min3A_70 = arith.minimumf %min3A_69, %max3A_68 : vector<1024x512xf32>
    %get3A_71 = arith.constant 0 : index
    %get3A_72 = arith.constant 0 : index
    %get3A_73 = vector.load %arg4[%get3A_71, %get3A_72] : memref<512x4xf32, #tpu.memory_space<vmem>>, vector<512x4xf32>
    %dot_general3A_74 = arith.constant dense<0.000000e+00> : vector<1024x4xf32>
    %dot_general3A_75 = tpu.matmul %min3A_70, %get3A_73, %dot_general3A_74 {dimension_numbers = #tpu.dot_dimension_numbers<[1], [0], [0], [1], [0, 0, 1, 1], [], []>, transpose_lhs_hint = false} : vector<1024x512xf32>, vector<512x4xf32>, vector<1024x4xf32> -> vector<1024x4xf32>
    %broadcast_in_dim3A_76 = vector.shape_cast %convert_element_type3A_13 : vector<1024xf32> to vector<1024x1xf32>
    %mul3A_77 = vector.broadcast %broadcast_in_dim3A_76 : vector<1024x1xf32> to vector<1024x4xf32>
    %mul3A_78 = arith.mulf %dot_general3A_75, %mul3A_77 : vector<1024x4xf32>
    %swap3A_79 = arith.constant 0 : index
    %swap3A_80 = arith.constant 0 : index
    %swap3A_81 = vector.load %arg8[%swap3A_79, %swap3A_80] : memref<1024x4xf32, #tpu.memory_space<vmem>>, vector<1024x4xf32>
    tpu.vector_store %arg8[%swap3A_79, %swap3A_80], %mul3A_78 {strides = array<i32>} : memref<1024x4xf32, #tpu.memory_space<vmem>>, vector<1024x4xf32>,
    %transpose3A = tpu.transpose %mul3A_78, [1, 0] : vector<1024x4xf32> -> vector<4x1024xf32>
    %swap3A_82 = arith.constant 0 : index
    %swap3A_83 = arith.constant 0 : index
    %swap3A_84 = vector.load %arg9[%swap3A_82, %swap3A_83] : memref<4x1024xf32, #tpu.memory_space<vmem>>, vector<4x1024xf32>
    tpu.vector_store %arg9[%swap3A_82, %swap3A_83], %transpose3A {strides = array<i32>} : memref<4x1024xf32, #tpu.memory_space<vmem>>, vector<4x1024xf32>,
    %broadcast_in_dim3A_85 = vector.shape_cast %convert_element_type3A_13 : vector<1024xf32> to vector<1024x1xf32>
    %mul3A_86 = vector.broadcast %broadcast_in_dim3A_85 : vector<1024x1xf32> to vector<1024x512xf32>
    %mul3A_87 = arith.mulf %add3A_43, %mul3A_86 : vector<1024x512xf32>
    %swap3A_88 = arith.constant 0 : index
    %swap3A_89 = arith.constant 0 : index
    %swap3A_90 = vector.load %arg10[%swap3A_88, %swap3A_89] : memref<1024x512xf32, #tpu.memory_space<vmem>>, vector<1024x512xf32>
    tpu.vector_store %arg10[%swap3A_88, %swap3A_89], %mul3A_87 {strides = array<i32>} : memref<1024x512xf32, #tpu.memory_space<vmem>>, vector<1024x512xf32>,
    return
  }
  func.func @transform_0(%arg0: i32) -> (i32, i32, i32) {
    %c0_i32 = arith.constant 0 : i32
    %c0_i32_0 = arith.constant 0 : i32
    %c0_i32_1 = arith.constant 0 : i32
    return %c0_i32, %c0_i32_0, %arg0 : i32, i32, i32
  }
  func.func @transform_1(%arg0: i32) -> (i32, i32) {
    %c0_i32 = arith.constant 0 : i32
    %c0_i32_0 = arith.constant 0 : i32
    return %arg0, %c0_i32 : i32, i32
  }
  func.func @transform_2(%arg0: i32) -> (i32, i32, i32) {
    %c0_i32 = arith.constant 0 : i32
    %c0_i32_0 = arith.constant 0 : i32
    %c0_i32_1 = arith.constant 0 : i32
    %c0_i32_2 = arith.constant 0 : i32
    return %c0_i32, %c0_i32_0, %c0_i32_1 : i32, i32, i32
  }
  func.func @transform_3(%arg0: i32) -> (i32, i32) {
    %c0_i32 = arith.constant 0 : i32
    %c0_i32_0 = arith.constant 0 : i32
    %c0_i32_1 = arith.constant 0 : i32
    return %c0_i32, %c0_i32_0 : i32, i32
  }
  func.func @transform_4(%arg0: i32) -> (i32, i32) {
    %c0_i32 = arith.constant 0 : i32
    %c0_i32_0 = arith.constant 0 : i32
    %c0_i32_1 = arith.constant 0 : i32
    return %c0_i32, %c0_i32_0 : i32, i32
  }
  func.func @transform_5(%arg0: i32) -> (i32, i32) {
    %c0_i32 = arith.constant 0 : i32
    %c0_i32_0 = arith.constant 0 : i32
    %c0_i32_1 = arith.constant 0 : i32
    return %c0_i32, %c0_i32_0 : i32, i32
  }
  func.func @transform_6(%arg0: i32) -> (i32, i32) {
    %c0_i32 = arith.constant 0 : i32
    %c0_i32_0 = arith.constant 0 : i32
    return %arg0, %c0_i32 : i32, i32
  }
  func.func @transform_7(%arg0: i32) -> (i32, i32) {
    %c0_i32 = arith.constant 0 : i32
    %c0_i32_0 = arith.constant 0 : i32
    return %arg0, %c0_i32 : i32, i32
  }
  func.func @transform_8(%arg0: i32) -> (i32, i32) {
    %c0_i32 = arith.constant 0 : i32
    %c0_i32_0 = arith.constant 0 : i32
    return %c0_i32, %arg0 : i32, i32
  }
  func.func @transform_9(%arg0: i32) -> (i32, i32) {
    %c0_i32 = arith.constant 0 : i32
    %c0_i32_0 = arith.constant 0 : i32
    return %arg0, %c0_i32 : i32, i32
  }
}

module attributes {stable_mosaic.version = 14 : i64} {
  func.func @_feat_body(%arg0: i32, %arg1: memref<1x1x2048x128xf32, #tpu.memory_space<vmem>>, %arg2: memref<1x128x128xf32, #tpu.memory_space<vmem>>, %arg3: memref<1x1x2048x128xf32, #tpu.memory_space<vmem>>) attributes {dimension_semantics = [#tpu.dimension_semantics<arbitrary>], iteration_bounds = array<i64: 6>, scalar_prefetch = 0 : i64, scratch_operands = 0 : i64, tpu.core_type = #tpu.core_type<tc>, window_params = [{transform_indices = @transform_0, window_bounds = array<i64: 1, 1, 2048, 128>}, {transform_indices = @transform_1, window_bounds = array<i64: 1, 128, 128>}, {transform_indices = @transform_2, window_bounds = array<i64: 1, 1, 2048, 128>}]} {
    %get3A = arith.constant 0 : index
    %get3A_0 = arith.constant 0 : index
    %get3A_1 = arith.constant 0 : index
    %get3A_2 = arith.constant 0 : index
    %get3A_3 = vector.load %arg1[%get3A, %get3A_0, %get3A_1, %get3A_2] : memref<1x1x2048x128xf32, #tpu.memory_space<vmem>>, vector<1x1x2048x128xf32>
    %get3A_4 = vector.shape_cast %get3A_3 : vector<1x1x2048x128xf32> to vector<2048x128xf32>
    %get3A_5 = arith.constant 0 : index
    %get3A_6 = arith.constant 0 : index
    %get3A_7 = arith.constant 0 : index
    %get3A_8 = vector.load %arg2[%get3A_5, %get3A_6, %get3A_7] : memref<1x128x128xf32, #tpu.memory_space<vmem>>, vector<1x128x128xf32>
    %get3A_9 = vector.shape_cast %get3A_8 : vector<1x128x128xf32> to vector<128x128xf32>
    %dot_general3A = arith.constant dense<0.000000e+00> : vector<2048x128xf32>
    %dot_general3A_10 = tpu.matmul %get3A_4, %get3A_9, %dot_general3A {dimension_numbers = #tpu.dot_dimension_numbers<[1], [0], [0], [1], [0, 0, 1, 1], [], []>, transpose_lhs_hint = false} : vector<2048x128xf32>, vector<128x128xf32>, vector<2048x128xf32> -> vector<2048x128xf32>
    %swap3A = arith.constant 0 : index
    %swap3A_11 = arith.constant 0 : index
    %swap3A_12 = arith.constant 0 : index
    %swap3A_13 = arith.constant 0 : index
    %swap3A_14 = vector.load %arg3[%swap3A, %swap3A_11, %swap3A_12, %swap3A_13] : memref<1x1x2048x128xf32, #tpu.memory_space<vmem>>, vector<1x1x2048x128xf32>
    %swap3A_15 = vector.shape_cast %swap3A_14 : vector<1x1x2048x128xf32> to vector<2048x128xf32>
    %swap3A_16 = vector.shape_cast %dot_general3A_10 : vector<2048x128xf32> to vector<1x1x2048x128xf32>
    tpu.vector_store %arg3[%swap3A, %swap3A_11, %swap3A_12, %swap3A_13], %swap3A_16 {strides = array<i32>} : memref<1x1x2048x128xf32, #tpu.memory_space<vmem>>, vector<1x1x2048x128xf32>,
    return
  }
  func.func @transform_0(%arg0: i32) -> (i32, i32, i32, i32) {
    %jit3A = arith.constant 3 : i32
    %div3A = arith.divsi %arg0, %jit3A : i32
    %sign3A = arith.constant 0 : i32
    %sign3A_0 = arith.cmpi sgt, %arg0, %sign3A : i32
    %sign3A_1 = arith.extui %sign3A_0 : i1 to i32
    %sign3A_2 = arith.constant 0 : i32
    %sign3A_3 = arith.cmpi slt, %arg0, %sign3A_2 : i32
    %sign3A_4 = arith.extui %sign3A_3 : i1 to i32
    %sign3A_5 = arith.subi %sign3A_1, %sign3A_4 : i32
    %sign3A_6 = arith.constant 0 : i32
    %sign3A_7 = arith.cmpi sgt, %jit3A, %sign3A_6 : i32
    %sign3A_8 = arith.extui %sign3A_7 : i1 to i32
    %sign3A_9 = arith.constant 0 : i32
    %sign3A_10 = arith.cmpi slt, %jit3A, %sign3A_9 : i32
    %sign3A_11 = arith.extui %sign3A_10 : i1 to i32
    %sign3A_12 = arith.subi %sign3A_8, %sign3A_11 : i32
    %ne3A = arith.cmpi ne, %sign3A_5, %sign3A_12 : i32
    %rem3A = arith.remsi %arg0, %jit3A : i32
    %ne3A_13 = arith.constant 0 : i32
    %ne3A_14 = arith.cmpi ne, %rem3A, %ne3A_13 : i32
    %and3A = arith.andi %ne3A, %ne3A_14 : i1
    %sub3A = arith.constant 1 : i32
    %sub3A_15 = arith.subi %div3A, %sub3A : i32
    %select_n3A = arith.select %and3A, %sub3A_15, %div3A : i32
    %jit3A_16 = arith.constant 3 : i32
    %eq3A = arith.constant 0 : i32
    %eq3A_17 = arith.cmpi eq, %jit3A_16, %eq3A : i32
    %jit3A_18 = arith.constant 1 : i32
    %select_n3A_19 = arith.select %eq3A_17, %jit3A_18, %jit3A_16 : i32
    %rem3A_20 = arith.remsi %arg0, %select_n3A_19 : i32
    %ne3A_21 = arith.constant 0 : i32
    %ne3A_22 = arith.cmpi ne, %rem3A_20, %ne3A_21 : i32
    %lt3A = arith.constant 0 : i32
    %lt3A_23 = arith.cmpi slt, %rem3A_20, %lt3A : i32
    %lt3A_24 = arith.constant 0 : i32
    %lt3A_25 = arith.cmpi slt, %select_n3A_19, %lt3A_24 : i32
    %ne3A_26 = arith.xori %lt3A_23, %lt3A_25 : i1
    %and3A_27 = arith.andi %ne3A_26, %ne3A_22 : i1
    %add3A = arith.addi %rem3A_20, %select_n3A_19 : i32
    %select_n3A_28 = arith.select %and3A_27, %add3A, %rem3A_20 : i32
    %c0_i32 = arith.constant 0 : i32
    %c0_i32_29 = arith.constant 0 : i32
    %c0_i32_30 = arith.constant 0 : i32
    return %select_n3A, %select_n3A_28, %c0_i32, %c0_i32_29 : i32, i32, i32, i32
  }
  func.func @transform_1(%arg0: i32) -> (i32, i32, i32) {
    %jit3A = arith.constant 3 : i32
    %eq3A = arith.constant 0 : i32
    %eq3A_0 = arith.cmpi eq, %jit3A, %eq3A : i32
    %jit3A_1 = arith.constant 1 : i32
    %select_n3A = arith.select %eq3A_0, %jit3A_1, %jit3A : i32
    %rem3A = arith.remsi %arg0, %select_n3A : i32
    %ne3A = arith.constant 0 : i32
    %ne3A_2 = arith.cmpi ne, %rem3A, %ne3A : i32
    %lt3A = arith.constant 0 : i32
    %lt3A_3 = arith.cmpi slt, %rem3A, %lt3A : i32
    %lt3A_4 = arith.constant 0 : i32
    %lt3A_5 = arith.cmpi slt, %select_n3A, %lt3A_4 : i32
    %ne3A_6 = arith.xori %lt3A_3, %lt3A_5 : i1
    %and3A = arith.andi %ne3A_6, %ne3A_2 : i1
    %add3A = arith.addi %rem3A, %select_n3A : i32
    %select_n3A_7 = arith.select %and3A, %add3A, %rem3A : i32
    %c0_i32 = arith.constant 0 : i32
    %c0_i32_8 = arith.constant 0 : i32
    %c0_i32_9 = arith.constant 0 : i32
    return %select_n3A_7, %c0_i32, %c0_i32_8 : i32, i32, i32
  }
  func.func @transform_2(%arg0: i32) -> (i32, i32, i32, i32) {
    %jit3A = arith.constant 3 : i32
    %div3A = arith.divsi %arg0, %jit3A : i32
    %sign3A = arith.constant 0 : i32
    %sign3A_0 = arith.cmpi sgt, %arg0, %sign3A : i32
    %sign3A_1 = arith.extui %sign3A_0 : i1 to i32
    %sign3A_2 = arith.constant 0 : i32
    %sign3A_3 = arith.cmpi slt, %arg0, %sign3A_2 : i32
    %sign3A_4 = arith.extui %sign3A_3 : i1 to i32
    %sign3A_5 = arith.subi %sign3A_1, %sign3A_4 : i32
    %sign3A_6 = arith.constant 0 : i32
    %sign3A_7 = arith.cmpi sgt, %jit3A, %sign3A_6 : i32
    %sign3A_8 = arith.extui %sign3A_7 : i1 to i32
    %sign3A_9 = arith.constant 0 : i32
    %sign3A_10 = arith.cmpi slt, %jit3A, %sign3A_9 : i32
    %sign3A_11 = arith.extui %sign3A_10 : i1 to i32
    %sign3A_12 = arith.subi %sign3A_8, %sign3A_11 : i32
    %ne3A = arith.cmpi ne, %sign3A_5, %sign3A_12 : i32
    %rem3A = arith.remsi %arg0, %jit3A : i32
    %ne3A_13 = arith.constant 0 : i32
    %ne3A_14 = arith.cmpi ne, %rem3A, %ne3A_13 : i32
    %and3A = arith.andi %ne3A, %ne3A_14 : i1
    %sub3A = arith.constant 1 : i32
    %sub3A_15 = arith.subi %div3A, %sub3A : i32
    %select_n3A = arith.select %and3A, %sub3A_15, %div3A : i32
    %jit3A_16 = arith.constant 3 : i32
    %eq3A = arith.constant 0 : i32
    %eq3A_17 = arith.cmpi eq, %jit3A_16, %eq3A : i32
    %jit3A_18 = arith.constant 1 : i32
    %select_n3A_19 = arith.select %eq3A_17, %jit3A_18, %jit3A_16 : i32
    %rem3A_20 = arith.remsi %arg0, %select_n3A_19 : i32
    %ne3A_21 = arith.constant 0 : i32
    %ne3A_22 = arith.cmpi ne, %rem3A_20, %ne3A_21 : i32
    %lt3A = arith.constant 0 : i32
    %lt3A_23 = arith.cmpi slt, %rem3A_20, %lt3A : i32
    %lt3A_24 = arith.constant 0 : i32
    %lt3A_25 = arith.cmpi slt, %select_n3A_19, %lt3A_24 : i32
    %ne3A_26 = arith.xori %lt3A_23, %lt3A_25 : i1
    %and3A_27 = arith.andi %ne3A_26, %ne3A_22 : i1
    %add3A = arith.addi %rem3A_20, %select_n3A_19 : i32
    %select_n3A_28 = arith.select %and3A_27, %add3A, %rem3A_20 : i32
    %c0_i32 = arith.constant 0 : i32
    %c0_i32_29 = arith.constant 0 : i32
    %c0_i32_30 = arith.constant 0 : i32
    return %select_n3A, %select_n3A_28, %c0_i32, %c0_i32_29 : i32, i32, i32, i32
  }
}

module attributes {stable_mosaic.version = 14 : i64} {
  func.func @_main_body(%arg0: i32, %arg1: memref<2x128x4xf32, #tpu.memory_space<vmem>>, %arg2: memref<2x64x128xf32, #tpu.memory_space<vmem>>, %arg3: memref<4x4096xf32, #tpu.memory_space<vmem>>, %arg4: memref<2x2048x512xf32, #tpu.memory_space<vmem>>, %arg5: memref<4x64xf32, #tpu.memory_space<vmem>>, %arg6: memref<2x128x64x128xf32, #tpu.memory_space<vmem>>, %arg7: memref<2x128x96xf32, #tpu.memory_space<vmem>>) attributes {dimension_semantics = [#tpu.dimension_semantics<arbitrary>], iteration_bounds = array<i64: 16>, scalar_prefetch = 0 : i64, scratch_operands = 0 : i64, tpu.core_type = #tpu.core_type<tc>, window_params = [{transform_indices = @transform_0, window_bounds = array<i64: 2, 128, 4>}, {pipeline_mode = #tpu.pipeline_mode<synchronous>, transform_indices = @transform_1, window_bounds = array<i64: 2, 64, 128>}, {pipeline_mode = #tpu.pipeline_mode<synchronous>, transform_indices = @transform_2, window_bounds = array<i64: 4, 4096>}, {pipeline_mode = #tpu.pipeline_mode<synchronous>, transform_indices = @transform_3, window_bounds = array<i64: 2, 2048, 512>}, {pipeline_mode = #tpu.pipeline_mode<synchronous>, transform_indices = @transform_4, window_bounds = array<i64: 4, 64>}, {transform_indices = @transform_5, window_bounds = array<i64: 2, 128, 64, 128>}, {transform_indices = @transform_6, window_bounds = array<i64: 2, 128, 96>}]} {
    %get3A = arith.constant 0 : index
    %get3A_0 = arith.constant 0 : index
    %get3A_1 = arith.constant 0 : index
    %get3A_2 = vector.load %arg1[%get3A, %get3A_0, %get3A_1] : memref<2x128x4xf32, #tpu.memory_space<vmem>>, vector<2x128x4xf32>
    %get3A_3 = arith.constant 0 : index
    %get3A_4 = arith.constant 0 : index
    %get3A_5 = vector.load %arg5[%get3A_3, %get3A_4] : memref<4x64xf32, #tpu.memory_space<vmem>>, vector<4x64xf32>
    %get3A_6 = arith.constant 0 : index
    %get3A_7 = arith.constant 0 : index
    %get3A_8 = arith.constant 0 : index
    %get3A_9 = vector.load %arg2[%get3A_6, %get3A_7, %get3A_8] : memref<2x64x128xf32, #tpu.memory_space<vmem>>, vector<2x64x128xf32>
    %slice3A = vector.extract_strided_slice %get3A_2 {offsets = [0, 0, 0], sizes = [1, 128, 4], strides = [1, 1, 1]} : vector<2x128x4xf32> to vector<1x128x4xf32>
    %squeeze3A = vector.shape_cast %slice3A : vector<1x128x4xf32> to vector<128x4xf32>
    %dot_general3A = arith.constant dense<0.000000e+00> : vector<128x64xf32>
    %dot_general3A_10 = tpu.matmul %squeeze3A, %get3A_5, %dot_general3A {dimension_numbers = #tpu.dot_dimension_numbers<[1], [0], [0], [1], [0, 0, 1, 1], [], []>, transpose_lhs_hint = false} : vector<128x4xf32>, vector<4x64xf32>, vector<128x64xf32> -> vector<128x64xf32>
    %slice3A_11 = vector.extract_strided_slice %get3A_2 {offsets = [1, 0, 0], sizes = [1, 128, 4], strides = [1, 1, 1]} : vector<2x128x4xf32> to vector<1x128x4xf32>
    %squeeze3A_12 = vector.shape_cast %slice3A_11 : vector<1x128x4xf32> to vector<128x4xf32>
    %dot_general3A_13 = arith.constant dense<0.000000e+00> : vector<128x64xf32>
    %dot_general3A_14 = tpu.matmul %squeeze3A_12, %get3A_5, %dot_general3A_13 {dimension_numbers = #tpu.dot_dimension_numbers<[1], [0], [0], [1], [0, 0, 1, 1], [], []>, transpose_lhs_hint = false} : vector<128x4xf32>, vector<4x64xf32>, vector<128x64xf32> -> vector<128x64xf32>
    %broadcast_in_dim3A = vector.shape_cast %dot_general3A_10 : vector<128x64xf32> to vector<128x64x1xf32>
    %slice3A_15 = vector.extract_strided_slice %get3A_9 {offsets = [0, 0, 0], sizes = [1, 64, 128], strides = [1, 1, 1]} : vector<2x64x128xf32> to vector<1x64x128xf32>
    %squeeze3A_16 = vector.shape_cast %slice3A_15 : vector<1x64x128xf32> to vector<64x128xf32>
    %broadcast_in_dim3A_17 = vector.shape_cast %squeeze3A_16 : vector<64x128xf32> to vector<1x64x128xf32>
    %add3A = vector.broadcast %broadcast_in_dim3A : vector<128x64x1xf32> to vector<128x64x128xf32>
    %add3A_18 = vector.broadcast %broadcast_in_dim3A_17 : vector<1x64x128xf32> to vector<128x64x128xf32>
    %add3A_19 = arith.addf %add3A, %add3A_18 : vector<128x64x128xf32>
    %mul3A = arith.constant 2.000000e-01 : f32
    %mul3A_20 = vector.broadcast %mul3A : f32 to vector<128x64x128xf32>
    %mul3A_21 = arith.mulf %mul3A_20, %add3A_19 : vector<128x64x128xf32>
    %max3A = arith.maximumf %add3A_19, %mul3A_21 : vector<128x64x128xf32>
    %broadcast_in_dim3A_22 = vector.shape_cast %dot_general3A_14 : vector<128x64xf32> to vector<128x64x1xf32>
    %slice3A_23 = vector.extract_strided_slice %get3A_9 {offsets = [1, 0, 0], sizes = [1, 64, 128], strides = [1, 1, 1]} : vector<2x64x128xf32> to vector<1x64x128xf32>
    %squeeze3A_24 = vector.shape_cast %slice3A_23 : vector<1x64x128xf32> to vector<64x128xf32>
    %broadcast_in_dim3A_25 = vector.shape_cast %squeeze3A_24 : vector<64x128xf32> to vector<1x64x128xf32>
    %add3A_26 = vector.broadcast %broadcast_in_dim3A_22 : vector<128x64x1xf32> to vector<128x64x128xf32>
    %add3A_27 = vector.broadcast %broadcast_in_dim3A_25 : vector<1x64x128xf32> to vector<128x64x128xf32>
    %add3A_28 = arith.addf %add3A_26, %add3A_27 : vector<128x64x128xf32>
    %mul3A_29 = arith.constant 2.000000e-01 : f32
    %mul3A_30 = vector.broadcast %mul3A_29 : f32 to vector<128x64x128xf32>
    %mul3A_31 = arith.mulf %mul3A_30, %add3A_28 : vector<128x64x128xf32>
    %max3A_32 = arith.maximumf %add3A_28, %mul3A_31 : vector<128x64x128xf32>
    %sub3A = arith.subf %max3A_32, %max3A : vector<128x64x128xf32>
    %exp3A = math.exp %sub3A : vector<128x64x128xf32>
    %add3A_33 = arith.constant 1.000000e+00 : f32
    %add3A_34 = vector.broadcast %add3A_33 : f32 to vector<128x64x128xf32>
    %add3A_35 = arith.addf %add3A_34, %exp3A : vector<128x64x128xf32>
    %div3A = arith.constant 1.000000e+00 : f32
    %div3A_36 = vector.broadcast %div3A : f32 to vector<128x64x128xf32>
    %div3A_37 = arith.divf %div3A_36, %add3A_35 : vector<128x64x128xf32>
    %swap3A = arith.constant 0 : index
    %swap3A_38 = arith.constant 0 : index
    %swap3A_39 = arith.constant 0 : index
    %swap3A_40 = arith.constant 0 : index
    %swap3A_41 = vector.load %arg6[%swap3A, %swap3A_38, %swap3A_39, %swap3A_40] : memref<2x128x64x128xf32, #tpu.memory_space<vmem>>, vector<1x128x64x128xf32>
    %swap3A_42 = vector.shape_cast %swap3A_41 : vector<1x128x64x128xf32> to vector<128x64x128xf32>
    %swap3A_43 = vector.shape_cast %div3A_37 : vector<128x64x128xf32> to vector<1x128x64x128xf32>
    tpu.vector_store %arg6[%swap3A, %swap3A_38, %swap3A_39, %swap3A_40], %swap3A_43 {strides = array<i32>} : memref<2x128x64x128xf32, #tpu.memory_space<vmem>>, vector<1x128x64x128xf32>,
    %sub3A_44 = arith.constant 1.000000e+00 : f32
    %sub3A_45 = vector.broadcast %sub3A_44 : f32 to vector<128x64x128xf32>
    %sub3A_46 = arith.subf %sub3A_45, %div3A_37 : vector<128x64x128xf32>
    %swap3A_47 = arith.constant 1 : index
    %swap3A_48 = arith.constant 0 : index
    %swap3A_49 = arith.constant 0 : index
    %swap3A_50 = arith.constant 0 : index
    %swap3A_51 = vector.load %arg6[%swap3A_47, %swap3A_48, %swap3A_49, %swap3A_50] : memref<2x128x64x128xf32, #tpu.memory_space<vmem>>, vector<1x128x64x128xf32>
    %swap3A_52 = vector.shape_cast %swap3A_51 : vector<1x128x64x128xf32> to vector<128x64x128xf32>
    %swap3A_53 = vector.shape_cast %sub3A_46 : vector<128x64x128xf32> to vector<1x128x64x128xf32>
    tpu.vector_store %arg6[%swap3A_47, %swap3A_48, %swap3A_49, %swap3A_50], %swap3A_53 {strides = array<i32>} : memref<2x128x64x128xf32, #tpu.memory_space<vmem>>, vector<1x128x64x128xf32>,
    %broadcast_in_dim3A_54 = arith.constant 0.000000e+00 : f32
    %broadcast_in_dim3A_55 = vector.broadcast %broadcast_in_dim3A_54 : f32 to vector<128x128xf32>
    %broadcast_in_dim3A_56 = arith.constant 0.000000e+00 : f32
    %broadcast_in_dim3A_57 = vector.broadcast %broadcast_in_dim3A_56 : f32 to vector<128x128xf32>
    %slice3A_58 = vector.extract_strided_slice %get3A_2 {offsets = [0, 0, 0], sizes = [1, 128, 1], strides = [1, 1, 1]} : vector<2x128x4xf32> to vector<1x128x1xf32>
    %squeeze3A_59 = vector.shape_cast %slice3A_58 : vector<1x128x1xf32> to vector<128xf32>
    %broadcast_in_dim3A_60 = vector.shape_cast %squeeze3A_59 : vector<128xf32> to vector<128x1xf32>
    %get3A_61 = arith.constant 0 : index
    %get3A_62 = arith.constant 0 : index
    %get3A_63 = vector.load %arg3[%get3A_61, %get3A_62] : memref<4x4096xf32, #tpu.memory_space<vmem>>, vector<1x2048xf32>
    %get3A_64 = vector.shape_cast %get3A_63 : vector<1x2048xf32> to vector<2048xf32>
    %broadcast_in_dim3A_65 = vector.shape_cast %get3A_64 : vector<2048xf32> to vector<1x2048xf32>
    %add3A_66 = vector.broadcast %broadcast_in_dim3A_60 : vector<128x1xf32> to vector<128x2048xf32>
    %add3A_67 = vector.broadcast %broadcast_in_dim3A_65 : vector<1x2048xf32> to vector<128x2048xf32>
    %add3A_68 = arith.addf %add3A_66, %add3A_67 : vector<128x2048xf32>
    %mul3A_69 = arith.constant 2.000000e-01 : f32
    %mul3A_70 = vector.broadcast %mul3A_69 : f32 to vector<128x2048xf32>
    %mul3A_71 = arith.mulf %mul3A_70, %add3A_68 : vector<128x2048xf32>
    %max3A_72 = arith.maximumf %add3A_68, %mul3A_71 : vector<128x2048xf32>
    %slice3A_73 = vector.extract_strided_slice %get3A_2 {offsets = [1, 0, 0], sizes = [1, 128, 1], strides = [1, 1, 1]} : vector<2x128x4xf32> to vector<1x128x1xf32>
    %squeeze3A_74 = vector.shape_cast %slice3A_73 : vector<1x128x1xf32> to vector<128xf32>
    %broadcast_in_dim3A_75 = vector.shape_cast %squeeze3A_74 : vector<128xf32> to vector<128x1xf32>
    %get3A_76 = arith.constant 0 : index
    %get3A_77 = arith.constant 2048 : index
    %get3A_78 = vector.load %arg3[%get3A_76, %get3A_77] : memref<4x4096xf32, #tpu.memory_space<vmem>>, vector<1x2048xf32>
    %get3A_79 = vector.shape_cast %get3A_78 : vector<1x2048xf32> to vector<2048xf32>
    %broadcast_in_dim3A_80 = vector.shape_cast %get3A_79 : vector<2048xf32> to vector<1x2048xf32>
    %add3A_81 = vector.broadcast %broadcast_in_dim3A_75 : vector<128x1xf32> to vector<128x2048xf32>
    %add3A_82 = vector.broadcast %broadcast_in_dim3A_80 : vector<1x2048xf32> to vector<128x2048xf32>
    %add3A_83 = arith.addf %add3A_81, %add3A_82 : vector<128x2048xf32>
    %mul3A_84 = arith.constant 2.000000e-01 : f32
    %mul3A_85 = vector.broadcast %mul3A_84 : f32 to vector<128x2048xf32>
    %mul3A_86 = arith.mulf %mul3A_85, %add3A_83 : vector<128x2048xf32>
    %max3A_87 = arith.maximumf %add3A_83, %mul3A_86 : vector<128x2048xf32>
    %sub3A_88 = arith.subf %max3A_87, %max3A_72 : vector<128x2048xf32>
    %exp3A_89 = math.exp %sub3A_88 : vector<128x2048xf32>
    %add3A_90 = arith.constant 1.000000e+00 : f32
    %add3A_91 = vector.broadcast %add3A_90 : f32 to vector<128x2048xf32>
    %add3A_92 = arith.addf %add3A_91, %exp3A_89 : vector<128x2048xf32>
    %div3A_93 = arith.constant 1.000000e+00 : f32
    %div3A_94 = vector.broadcast %div3A_93 : f32 to vector<128x2048xf32>
    %div3A_95 = arith.divf %div3A_94, %add3A_92 : vector<128x2048xf32>
    %sub3A_96 = arith.constant 1.000000e+00 : f32
    %sub3A_97 = vector.broadcast %sub3A_96 : f32 to vector<128x2048xf32>
    %sub3A_98 = arith.subf %sub3A_97, %div3A_95 : vector<128x2048xf32>
    %get3A_99 = arith.constant 0 : index
    %get3A_100 = arith.constant 0 : index
    %get3A_101 = arith.constant 0 : index
    %get3A_102 = vector.load %arg4[%get3A_99, %get3A_100, %get3A_101] : memref<2x2048x512xf32, #tpu.memory_space<vmem>>, vector<1x2048x128xf32>
    %get3A_103 = vector.shape_cast %get3A_102 : vector<1x2048x128xf32> to vector<2048x128xf32>
    %get3A_104 = arith.constant 1 : index
    %get3A_105 = arith.constant 0 : index
    %get3A_106 = arith.constant 0 : index
    %get3A_107 = vector.load %arg4[%get3A_104, %get3A_105, %get3A_106] : memref<2x2048x512xf32, #tpu.memory_space<vmem>>, vector<1x2048x128xf32>
    %get3A_108 = vector.shape_cast %get3A_107 : vector<1x2048x128xf32> to vector<2048x128xf32>
    %dot_general3A_109 = arith.constant dense<0.000000e+00> : vector<128x128xf32>
    %dot_general3A_110 = tpu.matmul %div3A_95, %get3A_103, %dot_general3A_109 {dimension_numbers = #tpu.dot_dimension_numbers<[1], [0], [0], [1], [0, 0, 1, 1], [], []>, transpose_lhs_hint = false} : vector<128x2048xf32>, vector<2048x128xf32>, vector<128x128xf32> -> vector<128x128xf32>
    %max3A_111 = arith.constant 0.000000e+00 : f32
    %max3A_112 = vector.broadcast %max3A_111 : f32 to vector<128x128xf32>
    %max3A_113 = arith.maximumf %dot_general3A_110, %max3A_112 : vector<128x128xf32>
    %add3A_114 = arith.addf %broadcast_in_dim3A_55, %max3A_113 : vector<128x128xf32>
    %dot_general3A_115 = arith.constant dense<0.000000e+00> : vector<128x128xf32>
    %dot_general3A_116 = tpu.matmul %sub3A_98, %get3A_108, %dot_general3A_115 {dimension_numbers = #tpu.dot_dimension_numbers<[1], [0], [0], [1], [0, 0, 1, 1], [], []>, transpose_lhs_hint = false} : vector<128x2048xf32>, vector<2048x128xf32>, vector<128x128xf32> -> vector<128x128xf32>
    %max3A_117 = arith.constant 0.000000e+00 : f32
    %max3A_118 = vector.broadcast %max3A_117 : f32 to vector<128x128xf32>
    %max3A_119 = arith.maximumf %dot_general3A_116, %max3A_118 : vector<128x128xf32>
    %add3A_120 = arith.addf %broadcast_in_dim3A_57, %max3A_119 : vector<128x128xf32>
    %slice3A_121 = vector.extract_strided_slice %get3A_2 {offsets = [0, 0, 1], sizes = [1, 128, 1], strides = [1, 1, 1]} : vector<2x128x4xf32> to vector<1x128x1xf32>
    %squeeze3A_122 = vector.shape_cast %slice3A_121 : vector<1x128x1xf32> to vector<128xf32>
    %broadcast_in_dim3A_123 = vector.shape_cast %squeeze3A_122 : vector<128xf32> to vector<128x1xf32>
    %get3A_124 = arith.constant 1 : index
    %get3A_125 = arith.constant 0 : index
    %get3A_126 = vector.load %arg3[%get3A_124, %get3A_125] : memref<4x4096xf32, #tpu.memory_space<vmem>>, vector<1x2048xf32>
    %get3A_127 = vector.shape_cast %get3A_126 : vector<1x2048xf32> to vector<2048xf32>
    %broadcast_in_dim3A_128 = vector.shape_cast %get3A_127 : vector<2048xf32> to vector<1x2048xf32>
    %add3A_129 = vector.broadcast %broadcast_in_dim3A_123 : vector<128x1xf32> to vector<128x2048xf32>
    %add3A_130 = vector.broadcast %broadcast_in_dim3A_128 : vector<1x2048xf32> to vector<128x2048xf32>
    %add3A_131 = arith.addf %add3A_129, %add3A_130 : vector<128x2048xf32>
    %mul3A_132 = arith.constant 2.000000e-01 : f32
    %mul3A_133 = vector.broadcast %mul3A_132 : f32 to vector<128x2048xf32>
    %mul3A_134 = arith.mulf %mul3A_133, %add3A_131 : vector<128x2048xf32>
    %max3A_135 = arith.maximumf %add3A_131, %mul3A_134 : vector<128x2048xf32>
    %slice3A_136 = vector.extract_strided_slice %get3A_2 {offsets = [1, 0, 1], sizes = [1, 128, 1], strides = [1, 1, 1]} : vector<2x128x4xf32> to vector<1x128x1xf32>
    %squeeze3A_137 = vector.shape_cast %slice3A_136 : vector<1x128x1xf32> to vector<128xf32>
    %broadcast_in_dim3A_138 = vector.shape_cast %squeeze3A_137 : vector<128xf32> to vector<128x1xf32>
    %get3A_139 = arith.constant 1 : index
    %get3A_140 = arith.constant 2048 : index
    %get3A_141 = vector.load %arg3[%get3A_139, %get3A_140] : memref<4x4096xf32, #tpu.memory_space<vmem>>, vector<1x2048xf32>
    %get3A_142 = vector.shape_cast %get3A_141 : vector<1x2048xf32> to vector<2048xf32>
    %broadcast_in_dim3A_143 = vector.shape_cast %get3A_142 : vector<2048xf32> to vector<1x2048xf32>
    %add3A_144 = vector.broadcast %broadcast_in_dim3A_138 : vector<128x1xf32> to vector<128x2048xf32>
    %add3A_145 = vector.broadcast %broadcast_in_dim3A_143 : vector<1x2048xf32> to vector<128x2048xf32>
    %add3A_146 = arith.addf %add3A_144, %add3A_145 : vector<128x2048xf32>
    %mul3A_147 = arith.constant 2.000000e-01 : f32
    %mul3A_148 = vector.broadcast %mul3A_147 : f32 to vector<128x2048xf32>
    %mul3A_149 = arith.mulf %mul3A_148, %add3A_146 : vector<128x2048xf32>
    %max3A_150 = arith.maximumf %add3A_146, %mul3A_149 : vector<128x2048xf32>
    %sub3A_151 = arith.subf %max3A_150, %max3A_135 : vector<128x2048xf32>
    %exp3A_152 = math.exp %sub3A_151 : vector<128x2048xf32>
    %add3A_153 = arith.constant 1.000000e+00 : f32
    %add3A_154 = vector.broadcast %add3A_153 : f32 to vector<128x2048xf32>
    %add3A_155 = arith.addf %add3A_154, %exp3A_152 : vector<128x2048xf32>
    %div3A_156 = arith.constant 1.000000e+00 : f32
    %div3A_157 = vector.broadcast %div3A_156 : f32 to vector<128x2048xf32>
    %div3A_158 = arith.divf %div3A_157, %add3A_155 : vector<128x2048xf32>
    %sub3A_159 = arith.constant 1.000000e+00 : f32
    %sub3A_160 = vector.broadcast %sub3A_159 : f32 to vector<128x2048xf32>
    %sub3A_161 = arith.subf %sub3A_160, %div3A_158 : vector<128x2048xf32>
    %get3A_162 = arith.constant 0 : index
    %get3A_163 = arith.constant 0 : index
    %get3A_164 = arith.constant 128 : index
    %get3A_165 = vector.load %arg4[%get3A_162, %get3A_163, %get3A_164] : memref<2x2048x512xf32, #tpu.memory_space<vmem>>, vector<1x2048x128xf32>
    %get3A_166 = vector.shape_cast %get3A_165 : vector<1x2048x128xf32> to vector<2048x128xf32>
    %get3A_167 = arith.constant 1 : index
    %get3A_168 = arith.constant 0 : index
    %get3A_169 = arith.constant 128 : index
    %get3A_170 = vector.load %arg4[%get3A_167, %get3A_168, %get3A_169] : memref<2x2048x512xf32, #tpu.memory_space<vmem>>, vector<1x2048x128xf32>
    %get3A_171 = vector.shape_cast %get3A_170 : vector<1x2048x128xf32> to vector<2048x128xf32>
    %dot_general3A_172 = arith.constant dense<0.000000e+00> : vector<128x128xf32>
    %dot_general3A_173 = tpu.matmul %div3A_158, %get3A_166, %dot_general3A_172 {dimension_numbers = #tpu.dot_dimension_numbers<[1], [0], [0], [1], [0, 0, 1, 1], [], []>, transpose_lhs_hint = false} : vector<128x2048xf32>, vector<2048x128xf32>, vector<128x128xf32> -> vector<128x128xf32>
    %max3A_174 = arith.constant 0.000000e+00 : f32
    %max3A_175 = vector.broadcast %max3A_174 : f32 to vector<128x128xf32>
    %max3A_176 = arith.maximumf %dot_general3A_173, %max3A_175 : vector<128x128xf32>
    %add3A_177 = arith.addf %add3A_114, %max3A_176 : vector<128x128xf32>
    %dot_general3A_178 = arith.constant dense<0.000000e+00> : vector<128x128xf32>
    %dot_general3A_179 = tpu.matmul %sub3A_161, %get3A_171, %dot_general3A_178 {dimension_numbers = #tpu.dot_dimension_numbers<[1], [0], [0], [1], [0, 0, 1, 1], [], []>, transpose_lhs_hint = false} : vector<128x2048xf32>, vector<2048x128xf32>, vector<128x128xf32> -> vector<128x128xf32>
    %max3A_180 = arith.constant 0.000000e+00 : f32
    %max3A_181 = vector.broadcast %max3A_180 : f32 to vector<128x128xf32>
    %max3A_182 = arith.maximumf %dot_general3A_179, %max3A_181 : vector<128x128xf32>
    %add3A_183 = arith.addf %add3A_120, %max3A_182 : vector<128x128xf32>
    %slice3A_184 = vector.extract_strided_slice %get3A_2 {offsets = [0, 0, 2], sizes = [1, 128, 1], strides = [1, 1, 1]} : vector<2x128x4xf32> to vector<1x128x1xf32>
    %squeeze3A_185 = vector.shape_cast %slice3A_184 : vector<1x128x1xf32> to vector<128xf32>
    %broadcast_in_dim3A_186 = vector.shape_cast %squeeze3A_185 : vector<128xf32> to vector<128x1xf32>
    %get3A_187 = arith.constant 2 : index
    %get3A_188 = arith.constant 0 : index
    %get3A_189 = vector.load %arg3[%get3A_187, %get3A_188] : memref<4x4096xf32, #tpu.memory_space<vmem>>, vector<1x2048xf32>
    %get3A_190 = vector.shape_cast %get3A_189 : vector<1x2048xf32> to vector<2048xf32>
    %broadcast_in_dim3A_191 = vector.shape_cast %get3A_190 : vector<2048xf32> to vector<1x2048xf32>
    %add3A_192 = vector.broadcast %broadcast_in_dim3A_186 : vector<128x1xf32> to vector<128x2048xf32>
    %add3A_193 = vector.broadcast %broadcast_in_dim3A_191 : vector<1x2048xf32> to vector<128x2048xf32>
    %add3A_194 = arith.addf %add3A_192, %add3A_193 : vector<128x2048xf32>
    %mul3A_195 = arith.constant 2.000000e-01 : f32
    %mul3A_196 = vector.broadcast %mul3A_195 : f32 to vector<128x2048xf32>
    %mul3A_197 = arith.mulf %mul3A_196, %add3A_194 : vector<128x2048xf32>
    %max3A_198 = arith.maximumf %add3A_194, %mul3A_197 : vector<128x2048xf32>
    %slice3A_199 = vector.extract_strided_slice %get3A_2 {offsets = [1, 0, 2], sizes = [1, 128, 1], strides = [1, 1, 1]} : vector<2x128x4xf32> to vector<1x128x1xf32>
    %squeeze3A_200 = vector.shape_cast %slice3A_199 : vector<1x128x1xf32> to vector<128xf32>
    %broadcast_in_dim3A_201 = vector.shape_cast %squeeze3A_200 : vector<128xf32> to vector<128x1xf32>
    %get3A_202 = arith.constant 2 : index
    %get3A_203 = arith.constant 2048 : index
    %get3A_204 = vector.load %arg3[%get3A_202, %get3A_203] : memref<4x4096xf32, #tpu.memory_space<vmem>>, vector<1x2048xf32>
    %get3A_205 = vector.shape_cast %get3A_204 : vector<1x2048xf32> to vector<2048xf32>
    %broadcast_in_dim3A_206 = vector.shape_cast %get3A_205 : vector<2048xf32> to vector<1x2048xf32>
    %add3A_207 = vector.broadcast %broadcast_in_dim3A_201 : vector<128x1xf32> to vector<128x2048xf32>
    %add3A_208 = vector.broadcast %broadcast_in_dim3A_206 : vector<1x2048xf32> to vector<128x2048xf32>
    %add3A_209 = arith.addf %add3A_207, %add3A_208 : vector<128x2048xf32>
    %mul3A_210 = arith.constant 2.000000e-01 : f32
    %mul3A_211 = vector.broadcast %mul3A_210 : f32 to vector<128x2048xf32>
    %mul3A_212 = arith.mulf %mul3A_211, %add3A_209 : vector<128x2048xf32>
    %max3A_213 = arith.maximumf %add3A_209, %mul3A_212 : vector<128x2048xf32>
    %sub3A_214 = arith.subf %max3A_213, %max3A_198 : vector<128x2048xf32>
    %exp3A_215 = math.exp %sub3A_214 : vector<128x2048xf32>
    %add3A_216 = arith.constant 1.000000e+00 : f32
    %add3A_217 = vector.broadcast %add3A_216 : f32 to vector<128x2048xf32>
    %add3A_218 = arith.addf %add3A_217, %exp3A_215 : vector<128x2048xf32>
    %div3A_219 = arith.constant 1.000000e+00 : f32
    %div3A_220 = vector.broadcast %div3A_219 : f32 to vector<128x2048xf32>
    %div3A_221 = arith.divf %div3A_220, %add3A_218 : vector<128x2048xf32>
    %sub3A_222 = arith.constant 1.000000e+00 : f32
    %sub3A_223 = vector.broadcast %sub3A_222 : f32 to vector<128x2048xf32>
    %sub3A_224 = arith.subf %sub3A_223, %div3A_221 : vector<128x2048xf32>
    %get3A_225 = arith.constant 0 : index
    %get3A_226 = arith.constant 0 : index
    %get3A_227 = arith.constant 256 : index
    %get3A_228 = vector.load %arg4[%get3A_225, %get3A_226, %get3A_227] : memref<2x2048x512xf32, #tpu.memory_space<vmem>>, vector<1x2048x128xf32>
    %get3A_229 = vector.shape_cast %get3A_228 : vector<1x2048x128xf32> to vector<2048x128xf32>
    %get3A_230 = arith.constant 1 : index
    %get3A_231 = arith.constant 0 : index
    %get3A_232 = arith.constant 256 : index
    %get3A_233 = vector.load %arg4[%get3A_230, %get3A_231, %get3A_232] : memref<2x2048x512xf32, #tpu.memory_space<vmem>>, vector<1x2048x128xf32>
    %get3A_234 = vector.shape_cast %get3A_233 : vector<1x2048x128xf32> to vector<2048x128xf32>
    %dot_general3A_235 = arith.constant dense<0.000000e+00> : vector<128x128xf32>
    %dot_general3A_236 = tpu.matmul %div3A_221, %get3A_229, %dot_general3A_235 {dimension_numbers = #tpu.dot_dimension_numbers<[1], [0], [0], [1], [0, 0, 1, 1], [], []>, transpose_lhs_hint = false} : vector<128x2048xf32>, vector<2048x128xf32>, vector<128x128xf32> -> vector<128x128xf32>
    %max3A_237 = arith.constant 0.000000e+00 : f32
    %max3A_238 = vector.broadcast %max3A_237 : f32 to vector<128x128xf32>
    %max3A_239 = arith.maximumf %dot_general3A_236, %max3A_238 : vector<128x128xf32>
    %add3A_240 = arith.addf %add3A_177, %max3A_239 : vector<128x128xf32>
    %dot_general3A_241 = arith.constant dense<0.000000e+00> : vector<128x128xf32>
    %dot_general3A_242 = tpu.matmul %sub3A_224, %get3A_234, %dot_general3A_241 {dimension_numbers = #tpu.dot_dimension_numbers<[1], [0], [0], [1], [0, 0, 1, 1], [], []>, transpose_lhs_hint = false} : vector<128x2048xf32>, vector<2048x128xf32>, vector<128x128xf32> -> vector<128x128xf32>
    %max3A_243 = arith.constant 0.000000e+00 : f32
    %max3A_244 = vector.broadcast %max3A_243 : f32 to vector<128x128xf32>
    %max3A_245 = arith.maximumf %dot_general3A_242, %max3A_244 : vector<128x128xf32>
    %add3A_246 = arith.addf %add3A_183, %max3A_245 : vector<128x128xf32>
    %slice3A_247 = vector.extract_strided_slice %get3A_2 {offsets = [0, 0, 3], sizes = [1, 128, 1], strides = [1, 1, 1]} : vector<2x128x4xf32> to vector<1x128x1xf32>
    %squeeze3A_248 = vector.shape_cast %slice3A_247 : vector<1x128x1xf32> to vector<128xf32>
    %broadcast_in_dim3A_249 = vector.shape_cast %squeeze3A_248 : vector<128xf32> to vector<128x1xf32>
    %get3A_250 = arith.constant 3 : index
    %get3A_251 = arith.constant 0 : index
    %get3A_252 = vector.load %arg3[%get3A_250, %get3A_251] : memref<4x4096xf32, #tpu.memory_space<vmem>>, vector<1x2048xf32>
    %get3A_253 = vector.shape_cast %get3A_252 : vector<1x2048xf32> to vector<2048xf32>
    %broadcast_in_dim3A_254 = vector.shape_cast %get3A_253 : vector<2048xf32> to vector<1x2048xf32>
    %add3A_255 = vector.broadcast %broadcast_in_dim3A_249 : vector<128x1xf32> to vector<128x2048xf32>
    %add3A_256 = vector.broadcast %broadcast_in_dim3A_254 : vector<1x2048xf32> to vector<128x2048xf32>
    %add3A_257 = arith.addf %add3A_255, %add3A_256 : vector<128x2048xf32>
    %mul3A_258 = arith.constant 2.000000e-01 : f32
    %mul3A_259 = vector.broadcast %mul3A_258 : f32 to vector<128x2048xf32>
    %mul3A_260 = arith.mulf %mul3A_259, %add3A_257 : vector<128x2048xf32>
    %max3A_261 = arith.maximumf %add3A_257, %mul3A_260 : vector<128x2048xf32>
    %slice3A_262 = vector.extract_strided_slice %get3A_2 {offsets = [1, 0, 3], sizes = [1, 128, 1], strides = [1, 1, 1]} : vector<2x128x4xf32> to vector<1x128x1xf32>
    %squeeze3A_263 = vector.shape_cast %slice3A_262 : vector<1x128x1xf32> to vector<128xf32>
    %broadcast_in_dim3A_264 = vector.shape_cast %squeeze3A_263 : vector<128xf32> to vector<128x1xf32>
    %get3A_265 = arith.constant 3 : index
    %get3A_266 = arith.constant 2048 : index
    %get3A_267 = vector.load %arg3[%get3A_265, %get3A_266] : memref<4x4096xf32, #tpu.memory_space<vmem>>, vector<1x2048xf32>
    %get3A_268 = vector.shape_cast %get3A_267 : vector<1x2048xf32> to vector<2048xf32>
    %broadcast_in_dim3A_269 = vector.shape_cast %get3A_268 : vector<2048xf32> to vector<1x2048xf32>
    %add3A_270 = vector.broadcast %broadcast_in_dim3A_264 : vector<128x1xf32> to vector<128x2048xf32>
    %add3A_271 = vector.broadcast %broadcast_in_dim3A_269 : vector<1x2048xf32> to vector<128x2048xf32>
    %add3A_272 = arith.addf %add3A_270, %add3A_271 : vector<128x2048xf32>
    %mul3A_273 = arith.constant 2.000000e-01 : f32
    %mul3A_274 = vector.broadcast %mul3A_273 : f32 to vector<128x2048xf32>
    %mul3A_275 = arith.mulf %mul3A_274, %add3A_272 : vector<128x2048xf32>
    %max3A_276 = arith.maximumf %add3A_272, %mul3A_275 : vector<128x2048xf32>
    %sub3A_277 = arith.subf %max3A_276, %max3A_261 : vector<128x2048xf32>
    %exp3A_278 = math.exp %sub3A_277 : vector<128x2048xf32>
    %add3A_279 = arith.constant 1.000000e+00 : f32
    %add3A_280 = vector.broadcast %add3A_279 : f32 to vector<128x2048xf32>
    %add3A_281 = arith.addf %add3A_280, %exp3A_278 : vector<128x2048xf32>
    %div3A_282 = arith.constant 1.000000e+00 : f32
    %div3A_283 = vector.broadcast %div3A_282 : f32 to vector<128x2048xf32>
    %div3A_284 = arith.divf %div3A_283, %add3A_281 : vector<128x2048xf32>
    %sub3A_285 = arith.constant 1.000000e+00 : f32
    %sub3A_286 = vector.broadcast %sub3A_285 : f32 to vector<128x2048xf32>
    %sub3A_287 = arith.subf %sub3A_286, %div3A_284 : vector<128x2048xf32>
    %get3A_288 = arith.constant 0 : index
    %get3A_289 = arith.constant 0 : index
    %get3A_290 = arith.constant 384 : index
    %get3A_291 = vector.load %arg4[%get3A_288, %get3A_289, %get3A_290] : memref<2x2048x512xf32, #tpu.memory_space<vmem>>, vector<1x2048x128xf32>
    %get3A_292 = vector.shape_cast %get3A_291 : vector<1x2048x128xf32> to vector<2048x128xf32>
    %get3A_293 = arith.constant 1 : index
    %get3A_294 = arith.constant 0 : index
    %get3A_295 = arith.constant 384 : index
    %get3A_296 = vector.load %arg4[%get3A_293, %get3A_294, %get3A_295] : memref<2x2048x512xf32, #tpu.memory_space<vmem>>, vector<1x2048x128xf32>
    %get3A_297 = vector.shape_cast %get3A_296 : vector<1x2048x128xf32> to vector<2048x128xf32>
    %dot_general3A_298 = arith.constant dense<0.000000e+00> : vector<128x128xf32>
    %dot_general3A_299 = tpu.matmul %div3A_284, %get3A_292, %dot_general3A_298 {dimension_numbers = #tpu.dot_dimension_numbers<[1], [0], [0], [1], [0, 0, 1, 1], [], []>, transpose_lhs_hint = false} : vector<128x2048xf32>, vector<2048x128xf32>, vector<128x128xf32> -> vector<128x128xf32>
    %max3A_300 = arith.constant 0.000000e+00 : f32
    %max3A_301 = vector.broadcast %max3A_300 : f32 to vector<128x128xf32>
    %max3A_302 = arith.maximumf %dot_general3A_299, %max3A_301 : vector<128x128xf32>
    %add3A_303 = arith.addf %add3A_240, %max3A_302 : vector<128x128xf32>
    %dot_general3A_304 = arith.constant dense<0.000000e+00> : vector<128x128xf32>
    %dot_general3A_305 = tpu.matmul %sub3A_287, %get3A_297, %dot_general3A_304 {dimension_numbers = #tpu.dot_dimension_numbers<[1], [0], [0], [1], [0, 0, 1, 1], [], []>, transpose_lhs_hint = false} : vector<128x2048xf32>, vector<2048x128xf32>, vector<128x128xf32> -> vector<128x128xf32>
    %max3A_306 = arith.constant 0.000000e+00 : f32
    %max3A_307 = vector.broadcast %max3A_306 : f32 to vector<128x128xf32>
    %max3A_308 = arith.maximumf %dot_general3A_305, %max3A_307 : vector<128x128xf32>
    %add3A_309 = arith.addf %add3A_246, %max3A_308 : vector<128x128xf32>
    %slice3A_310 = vector.extract_strided_slice %add3A_303 {offsets = [0, 0], sizes = [128, 96], strides = [1, 1]} : vector<128x128xf32> to vector<128x96xf32>
    %swap3A_311 = arith.constant 0 : index
    %swap3A_312 = arith.constant 0 : index
    %swap3A_313 = arith.constant 0 : index
    %swap3A_314 = vector.load %arg7[%swap3A_311, %swap3A_312, %swap3A_313] : memref<2x128x96xf32, #tpu.memory_space<vmem>>, vector<1x128x96xf32>
    %swap3A_315 = vector.shape_cast %swap3A_314 : vector<1x128x96xf32> to vector<128x96xf32>
    %swap3A_316 = vector.shape_cast %slice3A_310 : vector<128x96xf32> to vector<1x128x96xf32>
    tpu.vector_store %arg7[%swap3A_311, %swap3A_312, %swap3A_313], %swap3A_316 {strides = array<i32>} : memref<2x128x96xf32, #tpu.memory_space<vmem>>, vector<1x128x96xf32>,
    %slice3A_317 = vector.extract_strided_slice %add3A_309 {offsets = [0, 0], sizes = [128, 96], strides = [1, 1]} : vector<128x128xf32> to vector<128x96xf32>
    %swap3A_318 = arith.constant 1 : index
    %swap3A_319 = arith.constant 0 : index
    %swap3A_320 = arith.constant 0 : index
    %swap3A_321 = vector.load %arg7[%swap3A_318, %swap3A_319, %swap3A_320] : memref<2x128x96xf32, #tpu.memory_space<vmem>>, vector<1x128x96xf32>
    %swap3A_322 = vector.shape_cast %swap3A_321 : vector<1x128x96xf32> to vector<128x96xf32>
    %swap3A_323 = vector.shape_cast %slice3A_317 : vector<128x96xf32> to vector<1x128x96xf32>
    tpu.vector_store %arg7[%swap3A_318, %swap3A_319, %swap3A_320], %swap3A_323 {strides = array<i32>} : memref<2x128x96xf32, #tpu.memory_space<vmem>>, vector<1x128x96xf32>,
    return
  }
  func.func @transform_0(%arg0: i32) -> (i32, i32, i32) {
    %c0_i32 = arith.constant 0 : i32
    %c0_i32_0 = arith.constant 0 : i32
    %c0_i32_1 = arith.constant 0 : i32
    return %c0_i32, %arg0, %c0_i32_0 : i32, i32, i32
  }
  func.func @transform_1(%arg0: i32) -> (i32, i32, i32) {
    %c0_i32 = arith.constant 0 : i32
    %c0_i32_0 = arith.constant 0 : i32
    %c0_i32_1 = arith.constant 0 : i32
    %c0_i32_2 = arith.constant 0 : i32
    return %c0_i32, %c0_i32_0, %c0_i32_1 : i32, i32, i32
  }
  func.func @transform_2(%arg0: i32) -> (i32, i32) {
    %c0_i32 = arith.constant 0 : i32
    %c0_i32_0 = arith.constant 0 : i32
    %c0_i32_1 = arith.constant 0 : i32
    return %c0_i32, %c0_i32_0 : i32, i32
  }
  func.func @transform_3(%arg0: i32) -> (i32, i32, i32) {
    %c0_i32 = arith.constant 0 : i32
    %c0_i32_0 = arith.constant 0 : i32
    %c0_i32_1 = arith.constant 0 : i32
    %c0_i32_2 = arith.constant 0 : i32
    return %c0_i32, %c0_i32_0, %c0_i32_1 : i32, i32, i32
  }
  func.func @transform_4(%arg0: i32) -> (i32, i32) {
    %c0_i32 = arith.constant 0 : i32
    %c0_i32_0 = arith.constant 0 : i32
    %c0_i32_1 = arith.constant 0 : i32
    return %c0_i32, %c0_i32_0 : i32, i32
  }
  func.func @transform_5(%arg0: i32) -> (i32, i32, i32, i32) {
    %c0_i32 = arith.constant 0 : i32
    %c0_i32_0 = arith.constant 0 : i32
    %c0_i32_1 = arith.constant 0 : i32
    %c0_i32_2 = arith.constant 0 : i32
    return %c0_i32, %arg0, %c0_i32_0, %c0_i32_1 : i32, i32, i32, i32
  }
  func.func @transform_6(%arg0: i32) -> (i32, i32, i32) {
    %c0_i32 = arith.constant 0 : i32
    %c0_i32_0 = arith.constant 0 : i32
    %c0_i32_1 = arith.constant 0 : i32
    return %c0_i32, %arg0, %c0_i32_0 : i32, i32, i32
  }
}

</mosaic_0001>

<sc_bundles>
// kernel: kernel.6.cloned.1.call-start
scs
__scs_entry_jumppad:
0x0: {  	(pc) =	sbr.rel $0x88, $3  }
0x1: {  	(tag) =	ssettag $0x0;
	lr =	simm.s32 $0x1  }
0x2: {  	[smem:$0x3F9C] =	sst lr;
	_ =	strace $0xD0000000  }
0x3: {  	_ = 	snop  }
0x4: {  	_ = 	snop  }
0x5: {  	_ = 	snop  }
0x6: {  	_ = 	snop  }
0x7: {  	_ = 	snop  }
__scs_overlays_trampoline_lowered:
0x8: {  	[smem:$0x3FAB] =	sst s0  }
0x9: {  	[smem:$0x3FAC] =	sst s1  }
0xa: {  	[smem:$0x3FAD] =	sst s2  }
0xb: {  	[smem:$0x3FAE] =	sst s3  }
0xc: {  	[smem:$0x3FAF] =	sst s4  }
0xd: {  	[smem:$0x3FB0] =	sst s5  }
0xe: {  	[smem:$0x3FB1] =	sst s6  }
0xf: {  	[smem:$0x3FB2] =	sst s7  }
0x10: {  	[smem:$0x3FB3] =	sst s8  }
0x11: {  	[smem:$0x3FB4] =	sst s9;
	s0 =	simm.s32 @!p0 $0x0  }
0x12: {  	s1 =	sld [smem:$0x3F9A];
	s0 =	simm.s32 @p0 $0x1  }
0x13: {  	[smem:$0x3FB5] =	sst s0;
	s0 =	simm.s32 @!p1 $0x0  }
0x14: {  	s2 =	sld [smem:$0x3F99];
	s0 =	simm.s32 @p1 $0x1  }
0x15: {  	[smem:$0x3FB6] =	sst s0;
	s0 =	simm.s32 @!p2 $0x0  }
0x16: {  	s3 =	sld [smem:$0x3FDB];
	s0 =	simm.s32 @p2 $0x1  }
0x17: {  	s4 =	simm.s32 $0x1BF5;
	[smem:$0x3FB8] =	sst s0  }
0x18: {  	s0 =	sld [smem:$0x3F9B];
	_ =	swait.ge [sflag:s4], $0x0  }
0x19: {  	s7 =	sld [smem:$0x3F9C]  }
0x1a: {  	s8 =	sadd.s32 $0xFFFFE003, lr  }
0x1b: {  	s9 =	sadd.s32 $0xFFFFFEF7, lr;
	s5 =	simm.s32 $0xFFFFFFFF;
	p2 =	slt.u32 s8, $0xFFFFF086  }
0x1c: {  	p1 =	slt.u32 s9, $0xF7A;
	s5 =	simm.s32 @!p2 $0x0  }
0x1d: {  	s5 =	simm.s32 @p1 $0x1;
	p0 =	seq.s32 s7, s2  }
0x1e: {  	s7 =	smul.u32 @!p0 $0xF7A, s2;
	p2 =	seq.s32 @!p0 s5, $0x0  }
0x1f: {  	s9 =	smul.u32 $0xF7A, s1;
	s8 =	simm.s32 @!p0 $0x1BF5;
	p2 =	por !p2, p0  }
0x20: {  	[sflag:s8] =	ssyncset.s32 @!p0 $0xFFFFF086;
	s6 =	sadd.s32 @!p0 s3, s7;
	s7 =	simm.s32 @!p0 $0x108  }
0x21: {  	s3 =	sadd.s32 s3, s9;
	s6 =	sadd.s32 @!p0 $0x88, s6;
	s7 =	simm.s32 @p2 $0x1082  }
0x22: {  	[simem:s7], [sflag:s8] =	dma.local @!p0 [hbm:s6], $0xF7A  }
0x23: {  	s9 =	sor.u32 $0xD0000000, s2;
	s6 =	simm.s32 $0x108;
	_ =	swait.ge @!p0 [sflag:s8], $0x0  }
0x24: {  	s3 =	sadd.s32 $0x88, s3;
	s6 =	simm.s32 @!p1 $0x1082;
	[sflag:s4] =	ssyncset.s32 $0xFFFFF086  }
0x25: {  	[simem:s6], [sflag:s4] =	dma.local [hbm:s3], $0xF7A  }
0x26: {  	[smem:$0x3F9C] =	sst s1;
	(tag) =	ssettag s2;
	_ =	strace s9  }
0x27: {  	s1 =	sld [smem:$0x3FAC]  }
0x28: {  	s2 =	sld [smem:$0x3FAD]  }
0x29: {  	s4 =	sld [smem:$0x3FAF]  }
0x2a: {  	p0 =	seq.s32 s5, $0x0;
	s5 =	sld [smem:$0x3FB0]  }
0x2b: {  	s6 =	sld [smem:$0x3FB1]  }
0x2c: {  	s7 =	sld [smem:$0x3FB2]  }
0x2d: {  	s3 =	simm.s32 $0x108;
	s8 =	sld [smem:$0x3FB3]  }
0x2e: {  	s3 =	simm.s32 @!p0 $0x1082;
	s9 =	sld [smem:$0x3FB4]  }
0x2f: {  	lr =	sadd.s32 s0, s3;
	s0 =	sld [smem:$0x3FAB]  }
0x30: {  	s3 =	sld [smem:$0x3FAE]  }
0x31: {  	[smem:$0x3FB7] =	sst s10  }
0x32: {  	s10 =	sld [smem:$0x3FB5];
	_ =	sdelay $0x3  }
0x33: {  	p0 =	seq.s32 s10, $0x1;
	s10 =	sld [smem:$0x3FB7];
	_ =	sdelay $0x3  }
0x34: {  	[smem:$0x3FB7] =	sst s10  }
0x35: {  	s10 =	sld [smem:$0x3FB6];
	_ =	sdelay $0x3  }
0x36: {  	p1 =	seq.s32 s10, $0x1;
	s10 =	sld [smem:$0x3FB7];
	_ =	sdelay $0x3  }
0x37: {  	[smem:$0x3FB7] =	sst s10  }
0x38: {  	s10 =	sld [smem:$0x3FB8]  }
0x39: {  	_ = 	snop;
	(pc) =	sbr.ind lr, $3  }
0x3a: {  	_ = 	snop  }
0x3b: {  	_ = 	snop  }
0x3c: {  	p2 =	seq.s32 s10, $0x1;
	s10 =	sld [smem:$0x3FB7]  }
0x3d: {  	_ =	shalt  }
0x3e: {  	_ =	shalt  }
0x3f: {  	_ =	shalt  }
0x40: {  	_ =	shalt  }
0x41: {  	_ =	shalt  }
0x42: {  	_ =	shalt  }
0x43: {  	_ =	shalt  }
0x44: {  	_ =	shalt  }
0x45: {  	_ =	shalt  }
0x46: {  	_ =	shalt  }
0x47: {  	_ =	shalt  }
0x48: {  	_ =	shalt  }
0x49: {  	_ =	shalt  }
0x4a: {  	_ =	shalt  }
0x4b: {  	_ =	shalt  }
0x4c: {  	_ =	shalt  }
0x4d: {  	_ =	shalt  }
0x4e: {  	_ =	shalt  }
0x4f: {  	_ =	shalt  }
0x50: {  	_ =	shalt  }
0x51: {  	_ =	shalt  }
0x52: {  	_ =	shalt  }
0x53: {  	_ =	shalt  }
0x54: {  	_ =	shalt  }
0x55: {  	_ =	shalt  }
0x56: {  	_ =	shalt  }
0x57: {  	_ =	shalt  }
0x58: {  	_ =	shalt  }
0x59: {  	_ =	shalt  }
0x5a: {  	_ =	shalt  }
0x5b: {  	_ =	shalt  }
0x5c: {  	_ =	shalt  }
0x5d: {  	_ =	shalt  }
0x5e: {  	_ =	shalt  }
0x5f: {  	_ =	shalt  }
0x60: {  	_ =	shalt  }
0x61: {  	_ =	shalt  }
0x62: {  	_ =	shalt  }
0x63: {  	_ =	shalt  }
0x64: {  	_ =	shalt  }
0x65: {  	_ =	shalt  }
0x66: {  	_ =	shalt  }
0x67: {  	_ =	shalt  }
0x68: {  	_ =	shalt  }
0x69: {  	_ =	shalt  }
0x6a: {  	_ =	shalt  }
0x6b: {  	_ =	shalt  }
0x6c: {  	_ =	shalt  }
0x6d: {  	_ =	shalt  }
0x6e: {  	_ =	shalt  }
0x6f: {  	_ =	shalt  }
0x70: {  	_ =	shalt  }
0x71: {  	_ =	shalt  }
0x72: {  	_ =	shalt  }
0x73: {  	_ =	shalt  }
0x74: {  	_ =	shalt  }
0x75: {  	_ =	shalt  }
0x76: {  	_ =	shalt  }
0x77: {  	_ =	shalt  }
0x78: {  	_ =	shalt  }
0x79: {  	_ =	shalt  }
0x7a: {  	_ =	shalt  }
0x7b: {  	_ =	shalt  }
0x7c: {  	_ =	shalt  }
0x7d: {  	_ =	shalt  }
0x7e: {  	_ =	shalt  }
0x7f: {  	_ =	shalt  }
0x80: {  	_ =	shalt  }
0x81: {  	_ =	shalt  }
0x82: {  	_ =	shalt  }
0x83: {  	_ =	shalt  }
0x84: {  	_ =	shalt  }
0x85: {  	_ =	shalt  }
0x86: {  	_ =	shalt  }
0x87: {  	_ =	shalt  }
.Lfunc_end0:
.L_simem_size_0:
called_computation_lowered:
.L_overlay_start_0:
0x88: {  	s2 =	sld [smem:$0x3FD9]  }
0x89: {  	s3 =	sld [smem:$0x3FFE];
	_ =	sdelay $0x1  }
0x8a: {  	s1 =	srdreg.scid  }
0x8b: {  	s0 =	sand.u32 $0x1, s1  }
0x8c: {  	s15 =	sshll.u32 s0, $0xA;
	s2 =	sadd.s32 s3, s2  }
0x8d: {  	s2 =	sadd.s32 s2, s15  }
0x8e: {  	[smem:$0x3FC3] =	sst s2  }
0x8f: {  	_ = 	snop  }
0x90: {  	s2 =	sld [smem:$0x3FD0];
	_ =	sdelay $0x2  }
0x91: {  	s4 =	simm.s32 $0xA;
	s5 =	simm.s32 $0x10;
	s16 =	sld [smem:$0x3FC9]  }
0x92: {  	[smem:s5], [sflag:s4] =	dma.local [hbm:s2], $0x1  }
0x93: {  	_ =	swait.eq [sflag:s4], $0x1  }
0x94: {  	[sflag:s4] =	ssyncset.done $0x0  }
0x95: {  	[sflag:s4] =	ssyncadd.s32 $0xFFFFFFFF  }
0x96: {  	s17 =	sld [smem:$0x10];
	(tm) =	ssettm $0x1  }
0x97: {  	s18 =	sld [smem:$0x3FFB];
	_ =	sdelay $0x3  }
0x98: {  	_ =	strace s18  }
0x99: {  	s4 =	sld [smem:$0x3FFC];
	_ =	sdelay $0x3  }
0x9a: {  	_ =	strace s4  }
0x9b: {  	s4 =	sld [smem:$0x3FFD];
	_ =	sdelay $0x3  }
0x9c: {  	_ =	strace s4  }
0x9d: {  	_ =	strace $0x8FFFFFFF  }
0x9e: {  	s19 =	sld [smem:$0x3FDB];
	_ =	sdelay $0x1  }
0x9f: {  	s20 =	simm.s32 $_scs_section_size  }
0xa0: {  	s6 =	simm.s32 $_size__tile_overlayer_lowered;
	s7 =	simm.s32 $_tile_overlayer_lowered  }
0xa1: {  	s23 =	simm.s32 $0x1BFF;
	s22 =	sshll.u32 s7, $0x1;
	s4 =	sadd.s32 s20, s19  }
0xa2: {  	s8 =	simm.s32 $0x0;
	s21 =	sshll.u32 s6, $0x1;
	s6 =	sadd.s32 s22, s4  }
0xa3: {  	[timem:s8], [sflag:s23] =	dma.local [hbm:s6], s21  }
0xa4: {  	_ =	swait.ge [sflag:s23], s21  }
0xa5: {  	s5 =	ssub.s32 $0x0, s21;
	[sflag:s23] =	ssyncset.done $0x0  }
0xa6: {  	[sflag:s23] =	ssyncadd.s32 s5;
	_ =	sdelay $0x1  }
0xa7: {  	s24 =	simm.s32 $0x1B8B  }
0xa8: {  	_ =	swait.ge [sflag:s24], $0x1  }
0xa9: {  	[sflag:s24] =	ssyncset.done $0x0  }
0xaa: {  	s25 =	simm.s32 $0x1B8E;
	[sflag:s24] =	ssyncadd.s32 $0xFFFFFFFF  }
0xab: {  	s26 =	simm.s32 $execute0_lowered;
	[smem:$0x3FD2] =	sst s25  }
0xac: {  	s5 =	sshll.u32 s26, $0x1;
	_ =	strace $0x80000046;
	[dreg:$0x1] =	wrdreg $0xFFFFFFFF  }
0xad: {  	s28 =	simm.s32 $_size_execute0_lowered;
	s4 =	sadd.s32 s4, s5;
	[dreg:$0x0] =	wrdreg $0x0  }
0xae: {  	s5 =	sshll.u32 s28, $0x1;
	[dreg:$0x2] =	wrdreg s4  }
0xaf: {  	[dreg:$0x3] =	wrdreg s5  }
0xb0: {  	[dreg:$0x4] =	wrdreg $0xC0  }
0xb1: {  	_ =	task [dreg:s8], $0x5FFFF  }
0xb2: {  	[dreg:$0x1] =	wrdreg $0xFFFFFFFF  }
0xb3: {  	[dreg:$0x0] =	wrdreg $0x60  }
0xb4: {  	[dreg:$0x2] =	wrdreg s16  }
0xb5: {  	[dreg:$0x3] =	wrdreg s17  }
0xb6: {  	[dreg:$0x4] =	wrdreg $0x9  }
0xb7: {  	_ =	task.clear_ibuf [dreg:s8], $0x5FFFF;
	_ =	strace $0x90000046  }
0xb8: {  	s29 =	simm.s32 $0x9;
	_ =	strace $0x80000048  }
0xb9: {  	_ =	swait.ge [sflag:s29], $0x1  }
0xba: {  	[sflag:s29] =	ssyncadd.s32 $0xFFFFFFFF  }
0xbb: {  	_ =	strace $0x90000048  }
0xbc: {  	_ =	sfence  }
0xbd: {  	s30 =	sld [smem:$0x0];
	_ =	sdelay $0x2  }
0xbe: {  	s31 =	sshll.u32 s1, $0xD;
	s1 =	sshrl.u32 s1, $0x2  }
0xbf: {  	s3 =	sand.u32 $0x4000, s31;
	s1 =	sadd.s32 s1, s30  }
0xc0: {  	s0 =	sor.u32 s3, s0;
	s1 =	sshll.u32 s1, $0x11  }
0xc1: {  	s0 =	sor.u32 s1, s0  }
0xc2: {  	s0 =	sadd.s32 $0x8F2B, s0  }
0xc3: {  	[sflag:s0] =	ssyncadd.remote.s32 $0x1  }
0xc4: {  	_ =	sfence.sel $0xFFFF  }
0xc5: {  	[dreg:$0x0] =	wrdreg $0xFFFFFFFF;
	(pc) =	sbr.abs _section_cstart, $3  }
0xc6: {  	[dreg:$0x1] =	wrdreg $0xFFFFFFFF  }
0xc7: {  	_ =	task.clear_ibuf [dreg:s8], $0x2FFFF;
	_ =	strace $0x9FFFFFFF  }
0xc8: {  	(tm) =	ssettm $0x7FFFFFFF  }
0xc9: {  	_ =	shalt  }
tec
execute0_lowered:
.L_overlay_start_1:
0x0: {  	(tag) =	ssettag $0x1  }
0x1: {  	s3 =	rddreg [dreg:$0x0];
	s1 =	srdreg.scid  }
0x2: {  	s0 =	stileid.u32;
	s4 =	rddreg [dreg:$0x1];
	s2 =	simm.s32 $0x0  }
0x3: {  	s9 =	simm.s32 $0x100;
	s10 =	simm.s32 $0x1;
	s11 =	simm.s32 $0x800  }
0x4: {  	s12 =	simm.s32 $0x1000;
	s13 =	simm.s32 $0x2000;
	s14 =	simm.s32 $0x400  }
0x5: {  	s5 =	sand.u32 $0x1, s1;
	s6 =	sshll.u32 s0, $0x1;
	s1 =	rddreg [dreg:$0x2]  }
0x6: {  	s15 =	simm.s32 $0x0;
	[smem:$0x7FF] =	sst s2;
	s6 =	sor.u32 s5, s6  }
0x7: {  	s7 =	sshll.u32 s0, $0xA;
	_ =	strace $0x80000047;
	s8 =	sshll.u32 s6, $0x4  }
0x8: {  	s5 =	ssub.s32 $0x2, s5;
	s6 =	sshll.u32 s6, $0x9;
	s7 =	sor.u32 s7, s8  }
0x9: {  	s30 =	sshrl.u32 s5, $0x1;
	s3 =	sadd.s32 s3, s6;
	s7 =	sand.u32 $0x3070, s7  }
0xa: {  	s31 =	ssub.s32 s5, s30;
	s8 =	simm.s32 $0x80;
	s4 =	sadd.s32 s4, s7  }
0xb: {  	v0 =	vimm.f32 $0.0e+00;
	v1 =	vimm.f32 $1.000000000e+00;
	s5 =	sadd.s32 $0x10, s3;
	s7 =	smax.u32 s31, $0x1;
	s6 =	sadd.s32 $0x4000, s4  }
.LBB2_1:
0xc: {  	[tilespmem:s2], [sflag:$0x1] =	stream.strided.gather [hbm4b:s3+s8], $0x800, s9, s8, $0x38;
	[tilespmem:$0x3000] =	vst v63  }
0xd: {  	_ =	swait.ge [sflag:s10], $0x800  }
0xe: {  	[sflag:s10] =	ssyncset.done $0x0  }
0xf: {  	[sflag:s10] =	ssyncadd.s32 $0xFFFFF800  }
0x10: {  	[tilespmem:s11], [sflag:$0x1] =	stream.strided.gather [hbm4b:s5+s8], $0x800, s9, s8, $0x38;
	[tilespmem:$0x3000] =	vst v63  }
0x11: {  	_ =	swait.ge [sflag:s10], $0x800  }
0x12: {  	[sflag:s10] =	ssyncset.done $0x0  }
0x13: {  	s16 =	simm.s32 $0x0;
	[sflag:s10] =	ssyncadd.s32 $0xFFFFF800  }
.LBB2_2:
0x14: {  	p0 =	sne.s32 s16, $0x3FC0  }
.Ltmp0:
0x15: {  	_ = 	snop;
	(pc) =	sbr.rel @p0 .LBB2_2-.Ltmp0, $4  }
0x16: {  	_ = 	snop  }
0x17: {  	s17 =	sshra.s32 s16, $0x2  }
0x18: {  	[tilespmem:s17+$0x1000] =	vst v0  }
0x19: {  	s16 =	sadd.s32 $0x40, s16;
	[tilespmem:s17+$0x2000] =	vst v0  }
0x1a: {  	s17 =	simm.s32 $0x0;
	s16 =	simm.s32 $0x40  }
.LBB2_4:
0x1b: {  	p0 =	sne.s32 s16, $0x1FC0;
	v2 =	vld [tilespmem:s17+$0x0];
	_ =	sdelay $0x7  }
0x1c: {  	[tilespmem:v2+s12+$0x0] =	vst.idx.msk $0xffff, v1  }
0x1d: {  	v2 =	vld [tilespmem:s17+$0x800];
	_ =	sdelay $0x3  }
.Ltmp1:
0x1e: {  	(pc) =	sbr.rel @p0 .LBB2_4-.Ltmp1, $2  }
0x1f: {  	_ =	sdelay $0x2  }
0x20: {  	s17 =	sshra.s32 s16, $0x2;
	s16 =	sadd.s32 $0x40, s16;
	[tilespmem:v2+s13+$0x0] =	vst.idx.msk $0xffff, v1  }
0x21: {  	v2 =	vld [tilespmem:s17+$0x0];
	_ =	sdelay $0x7  }
0x22: {  	[tilespmem:v2+s12+$0x0] =	vst.idx.msk $0xffff, v1  }
0x23: {  	v2 =	vld [tilespmem:s17+$0x800];
	_ =	sdelay $0x7  }
0x24: {  	[tilespmem:v2+s13+$0x0] =	vst.idx.msk $0xffff, v1  }
0x25: {  	[hbm4b:s4+s8] =	stream.strided.scatter [tilespmem:s12], [sflag:$0x1], $0x1000, s14, s8, $0x38;
	[tilespmem:$0x3000] =	vst v63  }
0x26: {  	s15 =	sadd.s32 $0x1, s15;
	_ =	swait.ge [sflag:s10], $0x1000  }
0x27: {  	p0 =	sne.s32 s15, s7;
	[sflag:s10] =	ssyncset.done $0x0  }
.Ltmp2:
0x28: {  	[sflag:s10] =	ssyncadd.s32 $0xFFFFF000;
	(pc) =	sbr.rel @p0 .LBB2_1-.Ltmp2, $4  }
0x29: {  	[hbm4b:s6+s8] =	stream.strided.scatter [tilespmem:s13], [sflag:$0x1], $0x1000, s14, s8, $0x38;
	[tilespmem:$0x3000] =	vst v63  }
0x2a: {  	_ =	swait.ge [sflag:s10], $0x1000  }
0x2b: {  	[sflag:s10] =	ssyncset.done $0x0  }
0x2c: {  	[sflag:s10] =	ssyncadd.s32 $0xFFFFF000  }
0x2d: {  	_ =	sfence.sel $0x180000  }
0x2e: {  	[bflag:$0x0] =	sbarrier.arrive $0xFFFF  }
0x2f: {  	p0 =	sne.s32 s0, $0x0;
	_ =	strace $0x90000047  }
0x30: {  	s0 =	sadd.s32 @!p0 $0x100000, s1;
	[bflag:$0x2] =	sbarrier.arrive $0xFFFF  }
0x31: {  	[sflag:s0] =	ssyncadd.tile.s32 @!p0 $0x1;
	_ =	shalt  }
.Lfunc_end2:
_tile_overlayer_lowered:
.L_overlay_start_2:
0x32: {  	(tag) =	ssettag $0x2  }
0x33: {  	s0 =	rddreg [dreg:$0x0];
	s2 =	stileid.u32  }
0x34: {  	s1 =	rddreg [dreg:$0x1];
	p0 =	sne.s32 s2, $0x0  }
0x35: {  	s3 =	rddreg [dreg:$0x2];
	[bflag:$0x3] =	sbarrier.arrive $0xFFFF;
	s2 =	simm.s32 @!p0 $0x1C01  }
0x36: {  	[timem:s3], [sflag:s2] =	dma.local @!p0 [hbm:s0], s1  }
0x37: {  	s0 =	simm.s32 @!p0 $0x1  }
0x38: {  	_ =	swait.ge @!p0 [sflag:s0], s1  }
0x39: {  	s1 =	ssub.s32 @!p0 $0x0, s1;
	[sflag:s0] =	ssyncset.done @!p0 $0x0  }
0x3a: {  	[sflag:s0] =	ssyncadd.s32 @!p0 s1  }
0x3b: {  	[bflag:$0x3] =	sbarrier.arrive $0xFFFF  }
0x3c: {  	_ =	shalt  }

</sc_bundles>
